<compile_context>
chip_gen: v7x
topology: tpu7x:2x2x1
jax: 0.10.2.dev20260603
libtpu: 0.0.44.dev20260713+nightly
codegen_flags: <defaults>
</compile_context>

<pallas_src>
import functools

import jax
import jax.numpy as jnp
from jax import lax
from jax.experimental import pallas as pl
from jax.experimental.pallas import tpu as pltpu
from jax.experimental.pallas import tpu_sc as plsc

_HID = 128
_CD = 16
_NORB = 16

_NC = 2
_NS = 16
_NW = _NC * _NS
_CHUNK = 128
_RING = 5

_B_TC = 2048


def _sc_gather(table, z_pad):
    b_pad = z_pad.shape[0]
    b_per_w = b_pad // _NW
    n_chunks = b_per_w // _CHUNK
    n_outer = n_chunks // _RING
    mesh = plsc.VectorSubcoreMesh(
        core_axis_name="c", subcore_axis_name="s",
        num_cores=_NC, num_subcores=_NS)

    n_rows_w = b_per_w // _CHUNK
    win = n_rows_w + 7

    def body(table_hbm, idx_hbm, out_hbm, idx_all, rows, gsem, ssem):
        wid = lax.axis_index("s") * _NC + lax.axis_index("c")
        base = wid * b_per_w
        start8 = (wid * n_rows_w) // 8 * 8
        delta = wid * n_rows_w - start8
        pltpu.sync_copy(idx_hbm.at[pl.ds(start8, win)], idx_all)

        def gath(j, b):
            return pltpu.make_async_copy(
                table_hbm.at[idx_all.at[delta + j]], rows[b], gsem[b])

        def scat(j, b):
            return pltpu.make_async_copy(
                rows[b], out_hbm.at[pl.ds(base + j * _CHUNK, _CHUNK)],
                ssem[b])

        for b in range(_RING):
            gath(b, b).start()

        def step(p, carry):
            for b in range(_RING):
                j = p * _RING + b
                gath(j, b).wait()
                scat(j, b).start()

                @pl.when(p < n_outer - 1)
                def _():
                    scat(j, b).wait()
                    gath(j + _RING, b).start()

            return carry

        lax.fori_loop(0, n_outer, step, 0)
        for b in range(_RING):
            scat(n_chunks - _RING + b, b).wait()

    f = pl.kernel(
        body,
        out_type=jax.ShapeDtypeStruct((b_pad, _HID), jnp.float32),
        mesh=mesh,
        scratch_types=[
            pltpu.VMEM((win, _CHUNK), jnp.int32),
            tuple(pltpu.VMEM((_CHUNK, _HID), jnp.float32)
                  for _ in range(_RING)),
            tuple(pltpu.SemaphoreType.DMA for _ in range(_RING)),
            tuple(pltpu.SemaphoreType.DMA for _ in range(_RING)),
        ],
    )
    return f(table, z_pad.reshape(b_pad // _CHUNK, _CHUNK))


def _silu(x):
    u = x * 0.5
    return u + u * jnp.tanh(u)


def _tc_body(cf_ref, w1bdt_ref, w2_ref, out_ref):
    cs = _silu(cf_ref[:])
    h_lo = _silu(jnp.dot(w1bdt_ref[:], cs[:_HID, :],
                         preferred_element_type=jnp.float32))
    h_hi = _silu(jnp.dot(w1bdt_ref[:], cs[_HID:, :],
                         preferred_element_type=jnp.float32))
    parts = [h_lo[o * _HID:(o + 1) * _HID, :] for o in range(_NORB // 2)]
    parts += [h_hi[o * _HID:(o + 1) * _HID, :] for o in range(_NORB // 2)]
    while len(parts) > 1:
        parts = [parts[i] + parts[i + 1] for i in range(0, len(parts), 2)]
    s = jnp.transpose(parts[0])
    out_ref[:] = jnp.dot(s, w2_ref[:], preferred_element_type=jnp.float32)


def _tc_mlp(coeffsT, W1bdT, W2, n):
    nblk = (n + _B_TC - 1) // _B_TC
    ngrp = _NORB // 2
    return pl.pallas_call(
        _tc_body,
        grid=(nblk,),
        in_specs=[
            pl.BlockSpec((_NORB * _CD, _B_TC), lambda i: (0, i)),
            pl.BlockSpec((ngrp * _HID, ngrp * _CD), lambda i: (0, 0)),
            pl.BlockSpec((_HID, _HID), lambda i: (0, 0)),
        ],
        out_specs=pl.BlockSpec((_B_TC, _HID), lambda i: (i, 0)),
        out_shape=jax.ShapeDtypeStruct((n, _HID), jnp.float32),
    )(coeffsT, W1bdT, W2)


def _add_body(a_ref, b_ref, out_ref):
    out_ref[:] = a_ref[:] + b_ref[:]


_B_ADD = 2000


def _tc_add(mlp, ze_pad, n):
    return pl.pallas_call(
        _add_body,
        grid=(n // _B_ADD,),
        in_specs=[
            pl.BlockSpec((_B_ADD, _HID), lambda i: (i, 0)),
            pl.BlockSpec((_B_ADD, _HID), lambda i: (i, 0)),
        ],
        out_specs=pl.BlockSpec((_B_ADD, _HID), lambda i: (i, 0)),
        out_shape=jax.ShapeDtypeStruct((n, _HID), jnp.float32),
    )(mlp, ze_pad)


def kernel(z, coeffs, table, W1, W2):
    n = z.shape[0]
    granule = _NW * _CHUNK
    b_pad = ((n + granule - 1) // granule) * granule
    z_pad = jnp.pad(z.astype(jnp.int32), (0, b_pad - n))
    trows = table.shape[0]
    trows_pad = ((trows + 7) // 8) * 8
    table_pad = jnp.pad(table, ((0, trows_pad - trows), (0, 0)))
    ze_pad = _sc_gather(table_pad, z_pad)
    coeffsT = coeffs.reshape(n, _NORB * _CD).T
    ngrp = _NORB // 2
    eye = jnp.eye(ngrp, dtype=W1.dtype)
    w1bdt = (eye[:, None, :, None] * W1.T[None, :, None, :]).reshape(
        ngrp * _HID, ngrp * _CD)
    mlp = _tc_mlp(coeffsT, w1bdt, W2, n)
    return _tc_add(mlp, ze_pad, n)

# --- scband reference (transcript-rebuilt; emitter-appended) ---
"""Pipeline reference for scband-embed-z-48730698940593 (READ-ONLY COPY).

The authoritative reference and input builder live on the scoring server;
editing this copy changes nothing except your own understanding.
"""

import jax, jax.numpy as jnp
import numpy as np

HIDDEN_DIM = 128
COEFFS_DIM = 16
MAX_Z = 100
N = 100000
N_ORB = 16


def setup_inputs(seed: int = 0) -> dict:
    key = jax.random.key(seed)
    k1, k2, k3, k4, k5 = jax.random.split(key, 5)
    z = jax.random.randint(k1, (N,), 0, MAX_Z, dtype=jnp.int64 if jax.config.jax_enable_x64 else jnp.int32)
    coeffs = jax.random.normal(k2, (N, N_ORB, COEFFS_DIM), dtype=jnp.float32)
    # learned params
    table = jax.random.normal(k3, (MAX_Z, HIDDEN_DIM), dtype=jnp.float32)
    # Dense(coeffs_dim, hidden_dim, bias=False) -> weight applied as x @ W1
    W1 = jax.random.normal(k4, (COEFFS_DIM, HIDDEN_DIM), dtype=jnp.float32) * (1.0 / np.sqrt(COEFFS_DIM))
    W2 = jax.random.normal(k5, (HIDDEN_DIM, HIDDEN_DIM), dtype=jnp.float32) * (1.0 / np.sqrt(HIDDEN_DIM))
    return {"z": z, "coeffs": coeffs, "table": table, "W1": W1, "W2": W2}


def reference(z, coeffs, table, W1, W2):
    # z_embed(z): embedding gather -> [N, hidden_dim]
    ze = jnp.take(table, z, axis=0)
    # coeffs_lin: SiLU -> Dense(coeffs_dim->hidden) -> SiLU -> Dense(hidden->hidden)
    h = jax.nn.silu(coeffs)
    h = h @ W1
    h = jax.nn.silu(h)
    h = h @ W2
    # sum over orbital dim (dim 1)
    return ze + jnp.sum(h, axis=1)

if __name__ == "__main__":
    import jax
    _d = setup_inputs()
    print(jax.jit(kernel)(*tuple(_d.values())))

</pallas_src>

<mosaic_0001>
#map = affine_map<(d0, d1) -> (0, 0)>
module attributes {stable_mosaic.version = 14 : i64} {
  func.func @body(%arg0: i32, %arg1: i32, %arg2: memref<104x128xf32, #tpu.memory_space<hbm>>, %arg3: memref<800x128xi32, #tpu.memory_space<hbm>>, %arg4: memref<102400x128xf32, #tpu.memory_space<hbm>>, %arg5: memref<32x128xi32, #tpu.memory_space<vmem>>, %arg6: memref<128x128xf32, #tpu.memory_space<vmem>>, %arg7: memref<128x128xf32, #tpu.memory_space<vmem>>, %arg8: memref<128x128xf32, #tpu.memory_space<vmem>>, %arg9: memref<128x128xf32, #tpu.memory_space<vmem>>, %arg10: memref<128x128xf32, #tpu.memory_space<vmem>>, %arg11: memref<!tpu.dma_semaphore, #tpu.memory_space<semaphore_mem>>, %arg12: memref<!tpu.dma_semaphore, #tpu.memory_space<semaphore_mem>>, %arg13: memref<!tpu.dma_semaphore, #tpu.memory_space<semaphore_mem>>, %arg14: memref<!tpu.dma_semaphore, #tpu.memory_space<semaphore_mem>>, %arg15: memref<!tpu.dma_semaphore, #tpu.memory_space<semaphore_mem>>, %arg16: memref<!tpu.dma_semaphore, #tpu.memory_space<semaphore_mem>>, %arg17: memref<!tpu.dma_semaphore, #tpu.memory_space<semaphore_mem>>, %arg18: memref<!tpu.dma_semaphore, #tpu.memory_space<semaphore_mem>>, %arg19: memref<!tpu.dma_semaphore, #tpu.memory_space<semaphore_mem>>, %arg20: memref<!tpu.dma_semaphore, #tpu.memory_space<semaphore_mem>>) attributes {dimension_semantics = [#tpu.dimension_semantics<core_parallel>, #tpu.dimension_semantics<subcore_parallel>], iteration_bounds = array<i64: 2, 16>, scalar_prefetch = 0 : i64, scratch_operands = 16 : i64, tpu.core_type = #tpu.core_type<sc_vector_subcore>, window_params = [{transform_indices = #map}, {transform_indices = #map}, {transform_indices = #map}]} {
    %mul3A = arith.constant 2 : i32
    %mul3A_0 = arith.muli %arg1, %mul3A : i32
    %add3A = arith.addi %mul3A_0, %arg0 : i32
    %mul3A_1 = arith.constant 3200 : i32
    %mul3A_2 = arith.muli %add3A, %mul3A_1 : i32
    %mul3A_3 = arith.constant 25 : i32
    %mul3A_4 = arith.muli %add3A, %mul3A_3 : i32
    %jit3A = arith.constant 8 : i32
    %div3A = arith.divsi %mul3A_4, %jit3A : i32
    %sign3A = arith.constant 0 : i32
    %sign3A_5 = arith.cmpi sgt, %mul3A_4, %sign3A : i32
    %sign3A_6 = arith.extui %sign3A_5 : i1 to i32
    %sign3A_7 = arith.constant 0 : i32
    %sign3A_8 = arith.cmpi slt, %mul3A_4, %sign3A_7 : i32
    %sign3A_9 = arith.extui %sign3A_8 : i1 to i32
    %sign3A_10 = arith.subi %sign3A_6, %sign3A_9 : i32
    %sign3A_11 = arith.constant 0 : i32
    %sign3A_12 = arith.cmpi sgt, %jit3A, %sign3A_11 : i32
    %sign3A_13 = arith.extui %sign3A_12 : i1 to i32
    %sign3A_14 = arith.constant 0 : i32
    %sign3A_15 = arith.cmpi slt, %jit3A, %sign3A_14 : i32
    %sign3A_16 = arith.extui %sign3A_15 : i1 to i32
    %sign3A_17 = arith.subi %sign3A_13, %sign3A_16 : i32
    %ne3A = arith.cmpi ne, %sign3A_10, %sign3A_17 : i32
    %rem3A = arith.remsi %mul3A_4, %jit3A : i32
    %ne3A_18 = arith.constant 0 : i32
    %ne3A_19 = arith.cmpi ne, %rem3A, %ne3A_18 : i32
    %and3A = arith.andi %ne3A, %ne3A_19 : i1
    %sub3A = arith.constant 1 : i32
    %sub3A_20 = arith.subi %div3A, %sub3A : i32
    %select_n3A = arith.select %and3A, %sub3A_20, %div3A : i32
    %mul3A_21 = arith.constant 8 : i32
    %mul3A_22 = arith.muli %select_n3A, %mul3A_21 : i32
    %mul3A_23 = arith.constant 25 : i32
    %mul3A_24 = arith.muli %add3A, %mul3A_23 : i32
    %sub3A_25 = arith.subi %mul3A_24, %mul3A_22 : i32
    "tpu.region"() ({
      %run_scoped3A = tpu.sem_alloc : memref<!tpu.dma_semaphore, #tpu.memory_space<semaphore_mem>>
      %dma_start3A_99 = arith.constant 0 : i32
      %dma_start3A_100 = tpu.memref_slice %arg3[%mul3A_22, %dma_start3A_99] : memref<800x128xi32, #tpu.memory_space<hbm>> -> memref<32x128xi32, #tpu.memory_space<hbm>>
      %dma_start3A_101 = arith.constant 0 : i32
      %dma_start3A_102 = tpu.memref_slice %arg3[%mul3A_22, %dma_start3A_101] : memref<800x128xi32, #tpu.memory_space<hbm>> -> memref<32x128xi32, #tpu.memory_space<hbm>>
      tpu.enqueue_dma source(%dma_start3A_102 : memref<32x128xi32, #tpu.memory_space<hbm>>) target(%arg5 : memref<32x128xi32, #tpu.memory_space<vmem>>) target_semaphore(%run_scoped3A : memref<!tpu.dma_semaphore, #tpu.memory_space<semaphore_mem>>)
      %dma_wait3A_103 = arith.constant 0 : i32
      %dma_wait3A_104 = tpu.memref_slice %arg3[%mul3A_22, %dma_wait3A_103] : memref<800x128xi32, #tpu.memory_space<hbm>> -> memref<32x128xi32, #tpu.memory_space<hbm>>
      %dma_wait3A_105 = arith.constant 0 : i32
      %dma_wait3A_106 = tpu.memref_slice %arg3[%mul3A_22, %dma_wait3A_105] : memref<800x128xi32, #tpu.memory_space<hbm>> -> memref<32x128xi32, #tpu.memory_space<hbm>>
      tpu.wait_dma2 semaphore(%run_scoped3A : memref<!tpu.dma_semaphore, #tpu.memory_space<semaphore_mem>>) src(%dma_wait3A_106 : memref<32x128xi32, #tpu.memory_space<hbm>>) dst(%arg5 : memref<32x128xi32, #tpu.memory_space<vmem>>)
      tpu.yield
    }) : () -> ()
    %add3A_26 = arith.constant 0 : i32
    %add3A_27 = arith.addi %sub3A_25, %add3A_26 : i32
    %dma_start3A = arith.constant 0 : i32
    %dma_start3A_28 = tpu.memref_slice %arg5[%add3A_27, %dma_start3A] : memref<32x128xi32, #tpu.memory_space<vmem>> -> memref<1x128xi32, #tpu.memory_space<vmem>>
    %dma_start3A_29 = tpu.memref_squeeze %dma_start3A_28 : memref<1x128xi32, #tpu.memory_space<vmem>> -> memref<128xi32, #tpu.memory_space<vmem>>
    %dma_start3A_30 = arith.constant 0 : i32
    %dma_start3A_31 = arith.constant 0 : i32
    %dma_start3A_32 = tpu.memref_slice %arg2[%dma_start3A_30, %dma_start3A_31] : memref<104x128xf32, #tpu.memory_space<hbm>> -> memref<104x128xf32, #tpu.memory_space<hbm>>
    tpu.enqueue_indirect_dma source(%dma_start3A_32 : memref<104x128xf32, #tpu.memory_space<hbm>>) target(%arg6 : memref<128x128xf32, #tpu.memory_space<vmem>>) offsets(%dma_start3A_29 : memref<128xi32, #tpu.memory_space<vmem>>) semaphore(%arg11 : memref<!tpu.dma_semaphore, #tpu.memory_space<semaphore_mem>>)
    %add3A_33 = arith.constant 1 : i32
    %add3A_34 = arith.addi %sub3A_25, %add3A_33 : i32
    %dma_start3A_35 = arith.constant 0 : i32
    %dma_start3A_36 = tpu.memref_slice %arg5[%add3A_34, %dma_start3A_35] : memref<32x128xi32, #tpu.memory_space<vmem>> -> memref<1x128xi32, #tpu.memory_space<vmem>>
    %dma_start3A_37 = tpu.memref_squeeze %dma_start3A_36 : memref<1x128xi32, #tpu.memory_space<vmem>> -> memref<128xi32, #tpu.memory_space<vmem>>
    %dma_start3A_38 = arith.constant 0 : i32
    %dma_start3A_39 = arith.constant 0 : i32
    %dma_start3A_40 = tpu.memref_slice %arg2[%dma_start3A_38, %dma_start3A_39] : memref<104x128xf32, #tpu.memory_space<hbm>> -> memref<104x128xf32, #tpu.memory_space<hbm>>
    tpu.enqueue_indirect_dma source(%dma_start3A_40 : memref<104x128xf32, #tpu.memory_space<hbm>>) target(%arg7 : memref<128x128xf32, #tpu.memory_space<vmem>>) offsets(%dma_start3A_37 : memref<128xi32, #tpu.memory_space<vmem>>) semaphore(%arg12 : memref<!tpu.dma_semaphore, #tpu.memory_space<semaphore_mem>>)
    %add3A_41 = arith.constant 2 : i32
    %add3A_42 = arith.addi %sub3A_25, %add3A_41 : i32
    %dma_start3A_43 = arith.constant 0 : i32
    %dma_start3A_44 = tpu.memref_slice %arg5[%add3A_42, %dma_start3A_43] : memref<32x128xi32, #tpu.memory_space<vmem>> -> memref<1x128xi32, #tpu.memory_space<vmem>>
    %dma_start3A_45 = tpu.memref_squeeze %dma_start3A_44 : memref<1x128xi32, #tpu.memory_space<vmem>> -> memref<128xi32, #tpu.memory_space<vmem>>
    %dma_start3A_46 = arith.constant 0 : i32
    %dma_start3A_47 = arith.constant 0 : i32
    %dma_start3A_48 = tpu.memref_slice %arg2[%dma_start3A_46, %dma_start3A_47] : memref<104x128xf32, #tpu.memory_space<hbm>> -> memref<104x128xf32, #tpu.memory_space<hbm>>
    tpu.enqueue_indirect_dma source(%dma_start3A_48 : memref<104x128xf32, #tpu.memory_space<hbm>>) target(%arg8 : memref<128x128xf32, #tpu.memory_space<vmem>>) offsets(%dma_start3A_45 : memref<128xi32, #tpu.memory_space<vmem>>) semaphore(%arg13 : memref<!tpu.dma_semaphore, #tpu.memory_space<semaphore_mem>>)
    %add3A_49 = arith.constant 3 : i32
    %add3A_50 = arith.addi %sub3A_25, %add3A_49 : i32
    %dma_start3A_51 = arith.constant 0 : i32
    %dma_start3A_52 = tpu.memref_slice %arg5[%add3A_50, %dma_start3A_51] : memref<32x128xi32, #tpu.memory_space<vmem>> -> memref<1x128xi32, #tpu.memory_space<vmem>>
    %dma_start3A_53 = tpu.memref_squeeze %dma_start3A_52 : memref<1x128xi32, #tpu.memory_space<vmem>> -> memref<128xi32, #tpu.memory_space<vmem>>
    %dma_start3A_54 = arith.constant 0 : i32
    %dma_start3A_55 = arith.constant 0 : i32
    %dma_start3A_56 = tpu.memref_slice %arg2[%dma_start3A_54, %dma_start3A_55] : memref<104x128xf32, #tpu.memory_space<hbm>> -> memref<104x128xf32, #tpu.memory_space<hbm>>
    tpu.enqueue_indirect_dma source(%dma_start3A_56 : memref<104x128xf32, #tpu.memory_space<hbm>>) target(%arg9 : memref<128x128xf32, #tpu.memory_space<vmem>>) offsets(%dma_start3A_53 : memref<128xi32, #tpu.memory_space<vmem>>) semaphore(%arg14 : memref<!tpu.dma_semaphore, #tpu.memory_space<semaphore_mem>>)
    %add3A_57 = arith.constant 4 : i32
    %add3A_58 = arith.addi %sub3A_25, %add3A_57 : i32
    %dma_start3A_59 = arith.constant 0 : i32
    %dma_start3A_60 = tpu.memref_slice %arg5[%add3A_58, %dma_start3A_59] : memref<32x128xi32, #tpu.memory_space<vmem>> -> memref<1x128xi32, #tpu.memory_space<vmem>>
    %dma_start3A_61 = tpu.memref_squeeze %dma_start3A_60 : memref<1x128xi32, #tpu.memory_space<vmem>> -> memref<128xi32, #tpu.memory_space<vmem>>
    %dma_start3A_62 = arith.constant 0 : i32
    %dma_start3A_63 = arith.constant 0 : i32
    %dma_start3A_64 = tpu.memref_slice %arg2[%dma_start3A_62, %dma_start3A_63] : memref<104x128xf32, #tpu.memory_space<hbm>> -> memref<104x128xf32, #tpu.memory_space<hbm>>
    tpu.enqueue_indirect_dma source(%dma_start3A_64 : memref<104x128xf32, #tpu.memory_space<hbm>>) target(%arg10 : memref<128x128xf32, #tpu.memory_space<vmem>>) offsets(%dma_start3A_61 : memref<128xi32, #tpu.memory_space<vmem>>) semaphore(%arg15 : memref<!tpu.dma_semaphore, #tpu.memory_space<semaphore_mem>>)
    %scan3A = arith.constant 0 : i32
    %scan3A_65 = arith.constant 0 : i32
    %scan3A_66 = arith.constant 5 : i32
    %scan3A_67 = arith.addi %scan3A_65, %scan3A_66 : i32
    %scan3A_68 = arith.constant 1 : i32
    scf.for %scan3A_99 = %scan3A_65 to %scan3A_67 step %scan3A_68  : i32 {
      %mul3A_100 = arith.constant 5 : i32
      %mul3A_101 = arith.muli %scan3A_99, %mul3A_100 : i32
      %add3A_102 = arith.constant 0 : i32
      %add3A_103 = arith.addi %mul3A_101, %add3A_102 : i32
      %add3A_104 = arith.addi %sub3A_25, %add3A_103 : i32
      %dma_wait3A_105 = arith.constant 0 : i32
      %dma_wait3A_106 = tpu.memref_slice %arg5[%add3A_104, %dma_wait3A_105] : memref<32x128xi32, #tpu.memory_space<vmem>> -> memref<1x128xi32, #tpu.memory_space<vmem>>
      %dma_wait3A_107 = tpu.memref_squeeze %dma_wait3A_106 : memref<1x128xi32, #tpu.memory_space<vmem>> -> memref<128xi32, #tpu.memory_space<vmem>>
      %dma_wait3A_108 = arith.constant 0 : i32
      %dma_wait3A_109 = arith.constant 0 : i32
      %dma_wait3A_110 = tpu.memref_slice %arg2[%dma_wait3A_108, %dma_wait3A_109] : memref<104x128xf32, #tpu.memory_space<hbm>> -> memref<104x128xf32, #tpu.memory_space<hbm>>
      tpu.wait_indirect_dma semaphore(%arg11 : memref<!tpu.dma_semaphore, #tpu.memory_space<semaphore_mem>>) src(%dma_wait3A_110 : memref<104x128xf32, #tpu.memory_space<hbm>>) dst(%arg6 : memref<128x128xf32, #tpu.memory_space<vmem>>)
      %mul3A_111 = arith.constant 128 : i32
      %mul3A_112 = arith.muli %add3A_103, %mul3A_111 : i32
      %add3A_113 = arith.addi %mul3A_2, %mul3A_112 : i32
      %dma_start3A_114 = arith.constant 0 : i32
      %dma_start3A_115 = tpu.memref_slice %arg4[%add3A_113, %dma_start3A_114] : memref<102400x128xf32, #tpu.memory_space<hbm>> -> memref<128x128xf32, #tpu.memory_space<hbm>>
      %dma_start3A_116 = arith.constant 0 : i32
      %dma_start3A_117 = tpu.memref_slice %arg4[%add3A_113, %dma_start3A_116] : memref<102400x128xf32, #tpu.memory_space<hbm>> -> memref<128x128xf32, #tpu.memory_space<hbm>>
      tpu.enqueue_dma source(%arg6 : memref<128x128xf32, #tpu.memory_space<vmem>>) target(%dma_start3A_117 : memref<128x128xf32, #tpu.memory_space<hbm>>) target_semaphore(%arg16 : memref<!tpu.dma_semaphore, #tpu.memory_space<semaphore_mem>>)
      %lt3A = arith.constant 4 : i32
      %lt3A_118 = arith.cmpi slt, %scan3A_99, %lt3A : i32
      %convert_element_type3A = arith.extui %lt3A_118 : i1 to i32
      %cond3A = arith.constant 0 : i32
      %cond3A_119 = arith.cmpi ne, %convert_element_type3A, %cond3A : i32
      scf.if %cond3A_119 {
        %mul3A_212 = arith.constant 128 : i32
        %mul3A_213 = arith.muli %add3A_103, %mul3A_212 : i32
        %add3A_214 = arith.addi %mul3A_2, %mul3A_213 : i32
        %dma_wait3A_215 = arith.constant 0 : i32
        %dma_wait3A_216 = tpu.memref_slice %arg4[%add3A_214, %dma_wait3A_215] : memref<102400x128xf32, #tpu.memory_space<hbm>> -> memref<128x128xf32, #tpu.memory_space<hbm>>
        %dma_wait3A_217 = arith.constant 0 : i32
        %dma_wait3A_218 = tpu.memref_slice %arg4[%add3A_214, %dma_wait3A_217] : memref<102400x128xf32, #tpu.memory_space<hbm>> -> memref<128x128xf32, #tpu.memory_space<hbm>>
        tpu.wait_dma2 semaphore(%arg16 : memref<!tpu.dma_semaphore, #tpu.memory_space<semaphore_mem>>) src(%arg6 : memref<128x128xf32, #tpu.memory_space<vmem>>) dst(%dma_wait3A_218 : memref<128x128xf32, #tpu.memory_space<hbm>>)
        %add3A_219 = arith.constant 5 : i32
        %add3A_220 = arith.addi %add3A_103, %add3A_219 : i32
        %add3A_221 = arith.addi %sub3A_25, %add3A_220 : i32
        %dma_start3A_222 = arith.constant 0 : i32
        %dma_start3A_223 = tpu.memref_slice %arg5[%add3A_221, %dma_start3A_222] : memref<32x128xi32, #tpu.memory_space<vmem>> -> memref<1x128xi32, #tpu.memory_space<vmem>>
        %dma_start3A_224 = tpu.memref_squeeze %dma_start3A_223 : memref<1x128xi32, #tpu.memory_space<vmem>> -> memref<128xi32, #tpu.memory_space<vmem>>
        %dma_start3A_225 = arith.constant 0 : i32
        %dma_start3A_226 = arith.constant 0 : i32
        %dma_start3A_227 = tpu.memref_slice %arg2[%dma_start3A_225, %dma_start3A_226] : memref<104x128xf32, #tpu.memory_space<hbm>> -> memref<104x128xf32, #tpu.memory_space<hbm>>
        tpu.enqueue_indirect_dma source(%dma_start3A_227 : memref<104x128xf32, #tpu.memory_space<hbm>>) target(%arg6 : memref<128x128xf32, #tpu.memory_space<vmem>>) offsets(%dma_start3A_224 : memref<128xi32, #tpu.memory_space<vmem>>) semaphore(%arg11 : memref<!tpu.dma_semaphore, #tpu.memory_space<semaphore_mem>>)
      } else {
      }
      %mul3A_120 = arith.constant 5 : i32
      %mul3A_121 = arith.muli %scan3A_99, %mul3A_120 : i32
      %add3A_122 = arith.constant 1 : i32
      %add3A_123 = arith.addi %mul3A_121, %add3A_122 : i32
      %add3A_124 = arith.addi %sub3A_25, %add3A_123 : i32
      %dma_wait3A_125 = arith.constant 0 : i32
      %dma_wait3A_126 = tpu.memref_slice %arg5[%add3A_124, %dma_wait3A_125] : memref<32x128xi32, #tpu.memory_space<vmem>> -> memref<1x128xi32, #tpu.memory_space<vmem>>
      %dma_wait3A_127 = tpu.memref_squeeze %dma_wait3A_126 : memref<1x128xi32, #tpu.memory_space<vmem>> -> memref<128xi32, #tpu.memory_space<vmem>>
      %dma_wait3A_128 = arith.constant 0 : i32
      %dma_wait3A_129 = arith.constant 0 : i32
      %dma_wait3A_130 = tpu.memref_slice %arg2[%dma_wait3A_128, %dma_wait3A_129] : memref<104x128xf32, #tpu.memory_space<hbm>> -> memref<104x128xf32, #tpu.memory_space<hbm>>
      tpu.wait_indirect_dma semaphore(%arg12 : memref<!tpu.dma_semaphore, #tpu.memory_space<semaphore_mem>>) src(%dma_wait3A_130 : memref<104x128xf32, #tpu.memory_space<hbm>>) dst(%arg7 : memref<128x128xf32, #tpu.memory_space<vmem>>)
      %mul3A_131 = arith.constant 128 : i32
      %mul3A_132 = arith.muli %add3A_123, %mul3A_131 : i32
      %add3A_133 = arith.addi %mul3A_2, %mul3A_132 : i32
      %dma_start3A_134 = arith.constant 0 : i32
      %dma_start3A_135 = tpu.memref_slice %arg4[%add3A_133, %dma_start3A_134] : memref<102400x128xf32, #tpu.memory_space<hbm>> -> memref<128x128xf32, #tpu.memory_space<hbm>>
      %dma_start3A_136 = arith.constant 0 : i32
      %dma_start3A_137 = tpu.memref_slice %arg4[%add3A_133, %dma_start3A_136] : memref<102400x128xf32, #tpu.memory_space<hbm>> -> memref<128x128xf32, #tpu.memory_space<hbm>>
      tpu.enqueue_dma source(%arg7 : memref<128x128xf32, #tpu.memory_space<vmem>>) target(%dma_start3A_137 : memref<128x128xf32, #tpu.memory_space<hbm>>) target_semaphore(%arg17 : memref<!tpu.dma_semaphore, #tpu.memory_space<semaphore_mem>>)
      %lt3A_138 = arith.constant 4 : i32
      %lt3A_139 = arith.cmpi slt, %scan3A_99, %lt3A_138 : i32
      %convert_element_type3A_140 = arith.extui %lt3A_139 : i1 to i32
      %cond3A_141 = arith.constant 0 : i32
      %cond3A_142 = arith.cmpi ne, %convert_element_type3A_140, %cond3A_141 : i32
      scf.if %cond3A_142 {
        %mul3A_212 = arith.constant 128 : i32
        %mul3A_213 = arith.muli %add3A_123, %mul3A_212 : i32
        %add3A_214 = arith.addi %mul3A_2, %mul3A_213 : i32
        %dma_wait3A_215 = arith.constant 0 : i32
        %dma_wait3A_216 = tpu.memref_slice %arg4[%add3A_214, %dma_wait3A_215] : memref<102400x128xf32, #tpu.memory_space<hbm>> -> memref<128x128xf32, #tpu.memory_space<hbm>>
        %dma_wait3A_217 = arith.constant 0 : i32
        %dma_wait3A_218 = tpu.memref_slice %arg4[%add3A_214, %dma_wait3A_217] : memref<102400x128xf32, #tpu.memory_space<hbm>> -> memref<128x128xf32, #tpu.memory_space<hbm>>
        tpu.wait_dma2 semaphore(%arg17 : memref<!tpu.dma_semaphore, #tpu.memory_space<semaphore_mem>>) src(%arg7 : memref<128x128xf32, #tpu.memory_space<vmem>>) dst(%dma_wait3A_218 : memref<128x128xf32, #tpu.memory_space<hbm>>)
        %add3A_219 = arith.constant 5 : i32
        %add3A_220 = arith.addi %add3A_123, %add3A_219 : i32
        %add3A_221 = arith.addi %sub3A_25, %add3A_220 : i32
        %dma_start3A_222 = arith.constant 0 : i32
        %dma_start3A_223 = tpu.memref_slice %arg5[%add3A_221, %dma_start3A_222] : memref<32x128xi32, #tpu.memory_space<vmem>> -> memref<1x128xi32, #tpu.memory_space<vmem>>
        %dma_start3A_224 = tpu.memref_squeeze %dma_start3A_223 : memref<1x128xi32, #tpu.memory_space<vmem>> -> memref<128xi32, #tpu.memory_space<vmem>>
        %dma_start3A_225 = arith.constant 0 : i32
        %dma_start3A_226 = arith.constant 0 : i32
        %dma_start3A_227 = tpu.memref_slice %arg2[%dma_start3A_225, %dma_start3A_226] : memref<104x128xf32, #tpu.memory_space<hbm>> -> memref<104x128xf32, #tpu.memory_space<hbm>>
        tpu.enqueue_indirect_dma source(%dma_start3A_227 : memref<104x128xf32, #tpu.memory_space<hbm>>) target(%arg7 : memref<128x128xf32, #tpu.memory_space<vmem>>) offsets(%dma_start3A_224 : memref<128xi32, #tpu.memory_space<vmem>>) semaphore(%arg12 : memref<!tpu.dma_semaphore, #tpu.memory_space<semaphore_mem>>)
      } else {
      }
      %mul3A_143 = arith.constant 5 : i32
      %mul3A_144 = arith.muli %scan3A_99, %mul3A_143 : i32
      %add3A_145 = arith.constant 2 : i32
      %add3A_146 = arith.addi %mul3A_144, %add3A_145 : i32
      %add3A_147 = arith.addi %sub3A_25, %add3A_146 : i32
      %dma_wait3A_148 = arith.constant 0 : i32
      %dma_wait3A_149 = tpu.memref_slice %arg5[%add3A_147, %dma_wait3A_148] : memref<32x128xi32, #tpu.memory_space<vmem>> -> memref<1x128xi32, #tpu.memory_space<vmem>>
      %dma_wait3A_150 = tpu.memref_squeeze %dma_wait3A_149 : memref<1x128xi32, #tpu.memory_space<vmem>> -> memref<128xi32, #tpu.memory_space<vmem>>
      %dma_wait3A_151 = arith.constant 0 : i32
      %dma_wait3A_152 = arith.constant 0 : i32
      %dma_wait3A_153 = tpu.memref_slice %arg2[%dma_wait3A_151, %dma_wait3A_152] : memref<104x128xf32, #tpu.memory_space<hbm>> -> memref<104x128xf32, #tpu.memory_space<hbm>>
      tpu.wait_indirect_dma semaphore(%arg13 : memref<!tpu.dma_semaphore, #tpu.memory_space<semaphore_mem>>) src(%dma_wait3A_153 : memref<104x128xf32, #tpu.memory_space<hbm>>) dst(%arg8 : memref<128x128xf32, #tpu.memory_space<vmem>>)
      %mul3A_154 = arith.constant 128 : i32
      %mul3A_155 = arith.muli %add3A_146, %mul3A_154 : i32
      %add3A_156 = arith.addi %mul3A_2, %mul3A_155 : i32
      %dma_start3A_157 = arith.constant 0 : i32
      %dma_start3A_158 = tpu.memref_slice %arg4[%add3A_156, %dma_start3A_157] : memref<102400x128xf32, #tpu.memory_space<hbm>> -> memref<128x128xf32, #tpu.memory_space<hbm>>
      %dma_start3A_159 = arith.constant 0 : i32
      %dma_start3A_160 = tpu.memref_slice %arg4[%add3A_156, %dma_start3A_159] : memref<102400x128xf32, #tpu.memory_space<hbm>> -> memref<128x128xf32, #tpu.memory_space<hbm>>
      tpu.enqueue_dma source(%arg8 : memref<128x128xf32, #tpu.memory_space<vmem>>) target(%dma_start3A_160 : memref<128x128xf32, #tpu.memory_space<hbm>>) target_semaphore(%arg18 : memref<!tpu.dma_semaphore, #tpu.memory_space<semaphore_mem>>)
      %lt3A_161 = arith.constant 4 : i32
      %lt3A_162 = arith.cmpi slt, %scan3A_99, %lt3A_161 : i32
      %convert_element_type3A_163 = arith.extui %lt3A_162 : i1 to i32
      %cond3A_164 = arith.constant 0 : i32
      %cond3A_165 = arith.cmpi ne, %convert_element_type3A_163, %cond3A_164 : i32
      scf.if %cond3A_165 {
        %mul3A_212 = arith.constant 128 : i32
        %mul3A_213 = arith.muli %add3A_146, %mul3A_212 : i32
        %add3A_214 = arith.addi %mul3A_2, %mul3A_213 : i32
        %dma_wait3A_215 = arith.constant 0 : i32
        %dma_wait3A_216 = tpu.memref_slice %arg4[%add3A_214, %dma_wait3A_215] : memref<102400x128xf32, #tpu.memory_space<hbm>> -> memref<128x128xf32, #tpu.memory_space<hbm>>
        %dma_wait3A_217 = arith.constant 0 : i32
        %dma_wait3A_218 = tpu.memref_slice %arg4[%add3A_214, %dma_wait3A_217] : memref<102400x128xf32, #tpu.memory_space<hbm>> -> memref<128x128xf32, #tpu.memory_space<hbm>>
        tpu.wait_dma2 semaphore(%arg18 : memref<!tpu.dma_semaphore, #tpu.memory_space<semaphore_mem>>) src(%arg8 : memref<128x128xf32, #tpu.memory_space<vmem>>) dst(%dma_wait3A_218 : memref<128x128xf32, #tpu.memory_space<hbm>>)
        %add3A_219 = arith.constant 5 : i32
        %add3A_220 = arith.addi %add3A_146, %add3A_219 : i32
        %add3A_221 = arith.addi %sub3A_25, %add3A_220 : i32
        %dma_start3A_222 = arith.constant 0 : i32
        %dma_start3A_223 = tpu.memref_slice %arg5[%add3A_221, %dma_start3A_222] : memref<32x128xi32, #tpu.memory_space<vmem>> -> memref<1x128xi32, #tpu.memory_space<vmem>>
        %dma_start3A_224 = tpu.memref_squeeze %dma_start3A_223 : memref<1x128xi32, #tpu.memory_space<vmem>> -> memref<128xi32, #tpu.memory_space<vmem>>
        %dma_start3A_225 = arith.constant 0 : i32
        %dma_start3A_226 = arith.constant 0 : i32
        %dma_start3A_227 = tpu.memref_slice %arg2[%dma_start3A_225, %dma_start3A_226] : memref<104x128xf32, #tpu.memory_space<hbm>> -> memref<104x128xf32, #tpu.memory_space<hbm>>
        tpu.enqueue_indirect_dma source(%dma_start3A_227 : memref<104x128xf32, #tpu.memory_space<hbm>>) target(%arg8 : memref<128x128xf32, #tpu.memory_space<vmem>>) offsets(%dma_start3A_224 : memref<128xi32, #tpu.memory_space<vmem>>) semaphore(%arg13 : memref<!tpu.dma_semaphore, #tpu.memory_space<semaphore_mem>>)
      } else {
      }
      %mul3A_166 = arith.constant 5 : i32
      %mul3A_167 = arith.muli %scan3A_99, %mul3A_166 : i32
      %add3A_168 = arith.constant 3 : i32
      %add3A_169 = arith.addi %mul3A_167, %add3A_168 : i32
      %add3A_170 = arith.addi %sub3A_25, %add3A_169 : i32
      %dma_wait3A_171 = arith.constant 0 : i32
      %dma_wait3A_172 = tpu.memref_slice %arg5[%add3A_170, %dma_wait3A_171] : memref<32x128xi32, #tpu.memory_space<vmem>> -> memref<1x128xi32, #tpu.memory_space<vmem>>
      %dma_wait3A_173 = tpu.memref_squeeze %dma_wait3A_172 : memref<1x128xi32, #tpu.memory_space<vmem>> -> memref<128xi32, #tpu.memory_space<vmem>>
      %dma_wait3A_174 = arith.constant 0 : i32
      %dma_wait3A_175 = arith.constant 0 : i32
      %dma_wait3A_176 = tpu.memref_slice %arg2[%dma_wait3A_174, %dma_wait3A_175] : memref<104x128xf32, #tpu.memory_space<hbm>> -> memref<104x128xf32, #tpu.memory_space<hbm>>
      tpu.wait_indirect_dma semaphore(%arg14 : memref<!tpu.dma_semaphore, #tpu.memory_space<semaphore_mem>>) src(%dma_wait3A_176 : memref<104x128xf32, #tpu.memory_space<hbm>>) dst(%arg9 : memref<128x128xf32, #tpu.memory_space<vmem>>)
      %mul3A_177 = arith.constant 128 : i32
      %mul3A_178 = arith.muli %add3A_169, %mul3A_177 : i32
      %add3A_179 = arith.addi %mul3A_2, %mul3A_178 : i32
      %dma_start3A_180 = arith.constant 0 : i32
      %dma_start3A_181 = tpu.memref_slice %arg4[%add3A_179, %dma_start3A_180] : memref<102400x128xf32, #tpu.memory_space<hbm>> -> memref<128x128xf32, #tpu.memory_space<hbm>>
      %dma_start3A_182 = arith.constant 0 : i32
      %dma_start3A_183 = tpu.memref_slice %arg4[%add3A_179, %dma_start3A_182] : memref<102400x128xf32, #tpu.memory_space<hbm>> -> memref<128x128xf32, #tpu.memory_space<hbm>>
      tpu.enqueue_dma source(%arg9 : memref<128x128xf32, #tpu.memory_space<vmem>>) target(%dma_start3A_183 : memref<128x128xf32, #tpu.memory_space<hbm>>) target_semaphore(%arg19 : memref<!tpu.dma_semaphore, #tpu.memory_space<semaphore_mem>>)
      %lt3A_184 = arith.constant 4 : i32
      %lt3A_185 = arith.cmpi slt, %scan3A_99, %lt3A_184 : i32
      %convert_element_type3A_186 = arith.extui %lt3A_185 : i1 to i32
      %cond3A_187 = arith.constant 0 : i32
      %cond3A_188 = arith.cmpi ne, %convert_element_type3A_186, %cond3A_187 : i32
      scf.if %cond3A_188 {
        %mul3A_212 = arith.constant 128 : i32
        %mul3A_213 = arith.muli %add3A_169, %mul3A_212 : i32
        %add3A_214 = arith.addi %mul3A_2, %mul3A_213 : i32
        %dma_wait3A_215 = arith.constant 0 : i32
        %dma_wait3A_216 = tpu.memref_slice %arg4[%add3A_214, %dma_wait3A_215] : memref<102400x128xf32, #tpu.memory_space<hbm>> -> memref<128x128xf32, #tpu.memory_space<hbm>>
        %dma_wait3A_217 = arith.constant 0 : i32
        %dma_wait3A_218 = tpu.memref_slice %arg4[%add3A_214, %dma_wait3A_217] : memref<102400x128xf32, #tpu.memory_space<hbm>> -> memref<128x128xf32, #tpu.memory_space<hbm>>
        tpu.wait_dma2 semaphore(%arg19 : memref<!tpu.dma_semaphore, #tpu.memory_space<semaphore_mem>>) src(%arg9 : memref<128x128xf32, #tpu.memory_space<vmem>>) dst(%dma_wait3A_218 : memref<128x128xf32, #tpu.memory_space<hbm>>)
        %add3A_219 = arith.constant 5 : i32
        %add3A_220 = arith.addi %add3A_169, %add3A_219 : i32
        %add3A_221 = arith.addi %sub3A_25, %add3A_220 : i32
        %dma_start3A_222 = arith.constant 0 : i32
        %dma_start3A_223 = tpu.memref_slice %arg5[%add3A_221, %dma_start3A_222] : memref<32x128xi32, #tpu.memory_space<vmem>> -> memref<1x128xi32, #tpu.memory_space<vmem>>
        %dma_start3A_224 = tpu.memref_squeeze %dma_start3A_223 : memref<1x128xi32, #tpu.memory_space<vmem>> -> memref<128xi32, #tpu.memory_space<vmem>>
        %dma_start3A_225 = arith.constant 0 : i32
        %dma_start3A_226 = arith.constant 0 : i32
        %dma_start3A_227 = tpu.memref_slice %arg2[%dma_start3A_225, %dma_start3A_226] : memref<104x128xf32, #tpu.memory_space<hbm>> -> memref<104x128xf32, #tpu.memory_space<hbm>>
        tpu.enqueue_indirect_dma source(%dma_start3A_227 : memref<104x128xf32, #tpu.memory_space<hbm>>) target(%arg9 : memref<128x128xf32, #tpu.memory_space<vmem>>) offsets(%dma_start3A_224 : memref<128xi32, #tpu.memory_space<vmem>>) semaphore(%arg14 : memref<!tpu.dma_semaphore, #tpu.memory_space<semaphore_mem>>)
      } else {
      }
      %mul3A_189 = arith.constant 5 : i32
      %mul3A_190 = arith.muli %scan3A_99, %mul3A_189 : i32
      %add3A_191 = arith.constant 4 : i32
      %add3A_192 = arith.addi %mul3A_190, %add3A_191 : i32
      %add3A_193 = arith.addi %sub3A_25, %add3A_192 : i32
      %dma_wait3A_194 = arith.constant 0 : i32
      %dma_wait3A_195 = tpu.memref_slice %arg5[%add3A_193, %dma_wait3A_194] : memref<32x128xi32, #tpu.memory_space<vmem>> -> memref<1x128xi32, #tpu.memory_space<vmem>>
      %dma_wait3A_196 = tpu.memref_squeeze %dma_wait3A_195 : memref<1x128xi32, #tpu.memory_space<vmem>> -> memref<128xi32, #tpu.memory_space<vmem>>
      %dma_wait3A_197 = arith.constant 0 : i32
      %dma_wait3A_198 = arith.constant 0 : i32
      %dma_wait3A_199 = tpu.memref_slice %arg2[%dma_wait3A_197, %dma_wait3A_198] : memref<104x128xf32, #tpu.memory_space<hbm>> -> memref<104x128xf32, #tpu.memory_space<hbm>>
      tpu.wait_indirect_dma semaphore(%arg15 : memref<!tpu.dma_semaphore, #tpu.memory_space<semaphore_mem>>) src(%dma_wait3A_199 : memref<104x128xf32, #tpu.memory_space<hbm>>) dst(%arg10 : memref<128x128xf32, #tpu.memory_space<vmem>>)
      %mul3A_200 = arith.constant 128 : i32
      %mul3A_201 = arith.muli %add3A_192, %mul3A_200 : i32
      %add3A_202 = arith.addi %mul3A_2, %mul3A_201 : i32
      %dma_start3A_203 = arith.constant 0 : i32
      %dma_start3A_204 = tpu.memref_slice %arg4[%add3A_202, %dma_start3A_203] : memref<102400x128xf32, #tpu.memory_space<hbm>> -> memref<128x128xf32, #tpu.memory_space<hbm>>
      %dma_start3A_205 = arith.constant 0 : i32
      %dma_start3A_206 = tpu.memref_slice %arg4[%add3A_202, %dma_start3A_205] : memref<102400x128xf32, #tpu.memory_space<hbm>> -> memref<128x128xf32, #tpu.memory_space<hbm>>
      tpu.enqueue_dma source(%arg10 : memref<128x128xf32, #tpu.memory_space<vmem>>) target(%dma_start3A_206 : memref<128x128xf32, #tpu.memory_space<hbm>>) target_semaphore(%arg20 : memref<!tpu.dma_semaphore, #tpu.memory_space<semaphore_mem>>)
      %lt3A_207 = arith.constant 4 : i32
      %lt3A_208 = arith.cmpi slt, %scan3A_99, %lt3A_207 : i32
      %convert_element_type3A_209 = arith.extui %lt3A_208 : i1 to i32
      %cond3A_210 = arith.constant 0 : i32
      %cond3A_211 = arith.cmpi ne, %convert_element_type3A_209, %cond3A_210 : i32
      scf.if %cond3A_211 {
        %mul3A_212 = arith.constant 128 : i32
        %mul3A_213 = arith.muli %add3A_192, %mul3A_212 : i32
        %add3A_214 = arith.addi %mul3A_2, %mul3A_213 : i32
        %dma_wait3A_215 = arith.constant 0 : i32
        %dma_wait3A_216 = tpu.memref_slice %arg4[%add3A_214, %dma_wait3A_215] : memref<102400x128xf32, #tpu.memory_space<hbm>> -> memref<128x128xf32, #tpu.memory_space<hbm>>
        %dma_wait3A_217 = arith.constant 0 : i32
        %dma_wait3A_218 = tpu.memref_slice %arg4[%add3A_214, %dma_wait3A_217] : memref<102400x128xf32, #tpu.memory_space<hbm>> -> memref<128x128xf32, #tpu.memory_space<hbm>>
        tpu.wait_dma2 semaphore(%arg20 : memref<!tpu.dma_semaphore, #tpu.memory_space<semaphore_mem>>) src(%arg10 : memref<128x128xf32, #tpu.memory_space<vmem>>) dst(%dma_wait3A_218 : memref<128x128xf32, #tpu.memory_space<hbm>>)
        %add3A_219 = arith.constant 5 : i32
        %add3A_220 = arith.addi %add3A_192, %add3A_219 : i32
        %add3A_221 = arith.addi %sub3A_25, %add3A_220 : i32
        %dma_start3A_222 = arith.constant 0 : i32
        %dma_start3A_223 = tpu.memref_slice %arg5[%add3A_221, %dma_start3A_222] : memref<32x128xi32, #tpu.memory_space<vmem>> -> memref<1x128xi32, #tpu.memory_space<vmem>>
        %dma_start3A_224 = tpu.memref_squeeze %dma_start3A_223 : memref<1x128xi32, #tpu.memory_space<vmem>> -> memref<128xi32, #tpu.memory_space<vmem>>
        %dma_start3A_225 = arith.constant 0 : i32
        %dma_start3A_226 = arith.constant 0 : i32
        %dma_start3A_227 = tpu.memref_slice %arg2[%dma_start3A_225, %dma_start3A_226] : memref<104x128xf32, #tpu.memory_space<hbm>> -> memref<104x128xf32, #tpu.memory_space<hbm>>
        tpu.enqueue_indirect_dma source(%dma_start3A_227 : memref<104x128xf32, #tpu.memory_space<hbm>>) target(%arg10 : memref<128x128xf32, #tpu.memory_space<vmem>>) offsets(%dma_start3A_224 : memref<128xi32, #tpu.memory_space<vmem>>) semaphore(%arg15 : memref<!tpu.dma_semaphore, #tpu.memory_space<semaphore_mem>>)
      } else {
      }
    }
    %scan3A_69 = arith.constant 5 : i32
    %add3A_70 = arith.constant 2560 : i32
    %add3A_71 = arith.addi %mul3A_2, %add3A_70 : i32
    %dma_wait3A = arith.constant 0 : i32
    %dma_wait3A_72 = tpu.memref_slice %arg4[%add3A_71, %dma_wait3A] : memref<102400x128xf32, #tpu.memory_space<hbm>> -> memref<128x128xf32, #tpu.memory_space<hbm>>
    %dma_wait3A_73 = arith.constant 0 : i32
    %dma_wait3A_74 = tpu.memref_slice %arg4[%add3A_71, %dma_wait3A_73] : memref<102400x128xf32, #tpu.memory_space<hbm>> -> memref<128x128xf32, #tpu.memory_space<hbm>>
    tpu.wait_dma2 semaphore(%arg16 : memref<!tpu.dma_semaphore, #tpu.memory_space<semaphore_mem>>) src(%arg6 : memref<128x128xf32, #tpu.memory_space<vmem>>) dst(%dma_wait3A_74 : memref<128x128xf32, #tpu.memory_space<hbm>>)
    %add3A_75 = arith.constant 2688 : i32
    %add3A_76 = arith.addi %mul3A_2, %add3A_75 : i32
    %dma_wait3A_77 = arith.constant 0 : i32
    %dma_wait3A_78 = tpu.memref_slice %arg4[%add3A_76, %dma_wait3A_77] : memref<102400x128xf32, #tpu.memory_space<hbm>> -> memref<128x128xf32, #tpu.memory_space<hbm>>
    %dma_wait3A_79 = arith.constant 0 : i32
    %dma_wait3A_80 = tpu.memref_slice %arg4[%add3A_76, %dma_wait3A_79] : memref<102400x128xf32, #tpu.memory_space<hbm>> -> memref<128x128xf32, #tpu.memory_space<hbm>>
    tpu.wait_dma2 semaphore(%arg17 : memref<!tpu.dma_semaphore, #tpu.memory_space<semaphore_mem>>) src(%arg7 : memref<128x128xf32, #tpu.memory_space<vmem>>) dst(%dma_wait3A_80 : memref<128x128xf32, #tpu.memory_space<hbm>>)
    %add3A_81 = arith.constant 2816 : i32
    %add3A_82 = arith.addi %mul3A_2, %add3A_81 : i32
    %dma_wait3A_83 = arith.constant 0 : i32
    %dma_wait3A_84 = tpu.memref_slice %arg4[%add3A_82, %dma_wait3A_83] : memref<102400x128xf32, #tpu.memory_space<hbm>> -> memref<128x128xf32, #tpu.memory_space<hbm>>
    %dma_wait3A_85 = arith.constant 0 : i32
    %dma_wait3A_86 = tpu.memref_slice %arg4[%add3A_82, %dma_wait3A_85] : memref<102400x128xf32, #tpu.memory_space<hbm>> -> memref<128x128xf32, #tpu.memory_space<hbm>>
    tpu.wait_dma2 semaphore(%arg18 : memref<!tpu.dma_semaphore, #tpu.memory_space<semaphore_mem>>) src(%arg8 : memref<128x128xf32, #tpu.memory_space<vmem>>) dst(%dma_wait3A_86 : memref<128x128xf32, #tpu.memory_space<hbm>>)
    %add3A_87 = arith.constant 2944 : i32
    %add3A_88 = arith.addi %mul3A_2, %add3A_87 : i32
    %dma_wait3A_89 = arith.constant 0 : i32
    %dma_wait3A_90 = tpu.memref_slice %arg4[%add3A_88, %dma_wait3A_89] : memref<102400x128xf32, #tpu.memory_space<hbm>> -> memref<128x128xf32, #tpu.memory_space<hbm>>
    %dma_wait3A_91 = arith.constant 0 : i32
    %dma_wait3A_92 = tpu.memref_slice %arg4[%add3A_88, %dma_wait3A_91] : memref<102400x128xf32, #tpu.memory_space<hbm>> -> memref<128x128xf32, #tpu.memory_space<hbm>>
    tpu.wait_dma2 semaphore(%arg19 : memref<!tpu.dma_semaphore, #tpu.memory_space<semaphore_mem>>) src(%arg9 : memref<128x128xf32, #tpu.memory_space<vmem>>) dst(%dma_wait3A_92 : memref<128x128xf32, #tpu.memory_space<hbm>>)
    %add3A_93 = arith.constant 3072 : i32
    %add3A_94 = arith.addi %mul3A_2, %add3A_93 : i32
    %dma_wait3A_95 = arith.constant 0 : i32
    %dma_wait3A_96 = tpu.memref_slice %arg4[%add3A_94, %dma_wait3A_95] : memref<102400x128xf32, #tpu.memory_space<hbm>> -> memref<128x128xf32, #tpu.memory_space<hbm>>
    %dma_wait3A_97 = arith.constant 0 : i32
    %dma_wait3A_98 = tpu.memref_slice %arg4[%add3A_94, %dma_wait3A_97] : memref<102400x128xf32, #tpu.memory_space<hbm>> -> memref<128x128xf32, #tpu.memory_space<hbm>>
    tpu.wait_dma2 semaphore(%arg20 : memref<!tpu.dma_semaphore, #tpu.memory_space<semaphore_mem>>) src(%arg10 : memref<128x128xf32, #tpu.memory_space<vmem>>) dst(%dma_wait3A_98 : memref<128x128xf32, #tpu.memory_space<hbm>>)
    return
  }
}

module attributes {stable_mosaic.version = 14 : i64} {
  func.func @_add_body(%arg0: i32, %arg1: memref<2000x128xf32, #tpu.memory_space<vmem>>, %arg2: memref<2000x128xf32, #tpu.memory_space<vmem>>, %arg3: memref<2000x128xf32, #tpu.memory_space<vmem>>) attributes {dimension_semantics = [#tpu.dimension_semantics<arbitrary>], iteration_bounds = array<i64: 50>, scalar_prefetch = 0 : i64, scratch_operands = 0 : i64, tpu.core_type = #tpu.core_type<tc>, window_params = [{transform_indices = @transform_0, window_bounds = array<i64: 2000, 128>}, {transform_indices = @transform_1, window_bounds = array<i64: 2000, 128>}, {transform_indices = @transform_2, window_bounds = array<i64: 2000, 128>}]} {
    %get3A = arith.constant 0 : index
    %get3A_0 = arith.constant 0 : index
    %get3A_1 = vector.load %arg1[%get3A, %get3A_0] : memref<2000x128xf32, #tpu.memory_space<vmem>>, vector<2000x128xf32>
    %get3A_2 = arith.constant 0 : index
    %get3A_3 = arith.constant 0 : index
    %get3A_4 = vector.load %arg2[%get3A_2, %get3A_3] : memref<2000x128xf32, #tpu.memory_space<vmem>>, vector<2000x128xf32>
    %add3A = arith.addf %get3A_1, %get3A_4 : vector<2000x128xf32>
    %swap3A = arith.constant 0 : index
    %swap3A_5 = arith.constant 0 : index
    %swap3A_6 = vector.load %arg3[%swap3A, %swap3A_5] : memref<2000x128xf32, #tpu.memory_space<vmem>>, vector<2000x128xf32>
    tpu.vector_store %arg3[%swap3A, %swap3A_5], %add3A {strides = array<i32>} : memref<2000x128xf32, #tpu.memory_space<vmem>>, vector<2000x128xf32>,
    return
  }
  func.func @transform_0(%arg0: i32) -> (i32, i32) {
    %c0_i32 = arith.constant 0 : i32
    %c0_i32_0 = arith.constant 0 : i32
    return %arg0, %c0_i32 : i32, i32
  }
  func.func @transform_1(%arg0: i32) -> (i32, i32) {
    %c0_i32 = arith.constant 0 : i32
    %c0_i32_0 = arith.constant 0 : i32
    return %arg0, %c0_i32 : i32, i32
  }
  func.func @transform_2(%arg0: i32) -> (i32, i32) {
    %c0_i32 = arith.constant 0 : i32
    %c0_i32_0 = arith.constant 0 : i32
    return %arg0, %c0_i32 : i32, i32
  }
}

module attributes {stable_mosaic.version = 14 : i64} {
  func.func @_tc_body(%arg0: i32, %arg1: memref<256x2048xf32, #tpu.memory_space<vmem>>, %arg2: memref<1024x128xf32, #tpu.memory_space<vmem>>, %arg3: memref<128x128xf32, #tpu.memory_space<vmem>>, %arg4: memref<2048x128xf32, #tpu.memory_space<vmem>>) attributes {dimension_semantics = [#tpu.dimension_semantics<arbitrary>], iteration_bounds = array<i64: 49>, scalar_prefetch = 0 : i64, scratch_operands = 0 : i64, tpu.core_type = #tpu.core_type<tc>, window_params = [{transform_indices = @transform_0, window_bounds = array<i64: 256, 2048>}, {pipeline_mode = #tpu.pipeline_mode<synchronous>, transform_indices = @transform_1, window_bounds = array<i64: 1024, 128>}, {pipeline_mode = #tpu.pipeline_mode<synchronous>, transform_indices = @transform_2, window_bounds = array<i64: 128, 128>}, {transform_indices = @transform_3, window_bounds = array<i64: 2048, 128>}]} {
    %get3A = arith.constant 0 : index
    %get3A_0 = arith.constant 0 : index
    %get3A_1 = vector.load %arg1[%get3A, %get3A_0] : memref<256x2048xf32, #tpu.memory_space<vmem>>, vector<256x2048xf32>
    %mul3A = arith.constant 5.000000e-01 : f32
    %mul3A_2 = vector.broadcast %mul3A : f32 to vector<256x2048xf32>
    %mul3A_3 = arith.mulf %get3A_1, %mul3A_2 : vector<256x2048xf32>
    %tanh3A = math.tanh %mul3A_3 : vector<256x2048xf32>
    %mul3A_4 = arith.mulf %mul3A_3, %tanh3A : vector<256x2048xf32>
    %add3A = arith.addf %mul3A_3, %mul3A_4 : vector<256x2048xf32>
    %get3A_5 = arith.constant 0 : index
    %get3A_6 = arith.constant 0 : index
    %get3A_7 = vector.load %arg2[%get3A_5, %get3A_6] : memref<1024x128xf32, #tpu.memory_space<vmem>>, vector<1024x128xf32>
    %slice3A = vector.extract_strided_slice %add3A {offsets = [0, 0], sizes = [128, 2048], strides = [1, 1]} : vector<256x2048xf32> to vector<128x2048xf32>
    %dot_general3A = arith.constant dense<0.000000e+00> : vector<1024x2048xf32>
    %dot_general3A_8 = tpu.matmul %get3A_7, %slice3A, %dot_general3A {dimension_numbers = #tpu.dot_dimension_numbers<[1], [0], [0], [1], [0, 0, 1, 1], [], []>, transpose_lhs_hint = false} : vector<1024x128xf32>, vector<128x2048xf32>, vector<1024x2048xf32> -> vector<1024x2048xf32>
    %mul3A_9 = arith.constant 5.000000e-01 : f32
    %mul3A_10 = vector.broadcast %mul3A_9 : f32 to vector<1024x2048xf32>
    %mul3A_11 = arith.mulf %dot_general3A_8, %mul3A_10 : vector<1024x2048xf32>
    %tanh3A_12 = math.tanh %mul3A_11 : vector<1024x2048xf32>
    %mul3A_13 = arith.mulf %mul3A_11, %tanh3A_12 : vector<1024x2048xf32>
    %add3A_14 = arith.addf %mul3A_11, %mul3A_13 : vector<1024x2048xf32>
    %get3A_15 = arith.constant 0 : index
    %get3A_16 = arith.constant 0 : index
    %get3A_17 = vector.load %arg2[%get3A_15, %get3A_16] : memref<1024x128xf32, #tpu.memory_space<vmem>>, vector<1024x128xf32>
    %slice3A_18 = vector.extract_strided_slice %add3A {offsets = [128, 0], sizes = [128, 2048], strides = [1, 1]} : vector<256x2048xf32> to vector<128x2048xf32>
    %dot_general3A_19 = arith.constant dense<0.000000e+00> : vector<1024x2048xf32>
    %dot_general3A_20 = tpu.matmul %get3A_17, %slice3A_18, %dot_general3A_19 {dimension_numbers = #tpu.dot_dimension_numbers<[1], [0], [0], [1], [0, 0, 1, 1], [], []>, transpose_lhs_hint = false} : vector<1024x128xf32>, vector<128x2048xf32>, vector<1024x2048xf32> -> vector<1024x2048xf32>
    %mul3A_21 = arith.constant 5.000000e-01 : f32
    %mul3A_22 = vector.broadcast %mul3A_21 : f32 to vector<1024x2048xf32>
    %mul3A_23 = arith.mulf %dot_general3A_20, %mul3A_22 : vector<1024x2048xf32>
    %tanh3A_24 = math.tanh %mul3A_23 : vector<1024x2048xf32>
    %mul3A_25 = arith.mulf %mul3A_23, %tanh3A_24 : vector<1024x2048xf32>
    %add3A_26 = arith.addf %mul3A_23, %mul3A_25 : vector<1024x2048xf32>
    %slice3A_27 = vector.extract_strided_slice %add3A_14 {offsets = [0, 0], sizes = [128, 2048], strides = [1, 1]} : vector<1024x2048xf32> to vector<128x2048xf32>
    %slice3A_28 = vector.extract_strided_slice %add3A_14 {offsets = [128, 0], sizes = [128, 2048], strides = [1, 1]} : vector<1024x2048xf32> to vector<128x2048xf32>
    %slice3A_29 = vector.extract_strided_slice %add3A_14 {offsets = [256, 0], sizes = [128, 2048], strides = [1, 1]} : vector<1024x2048xf32> to vector<128x2048xf32>
    %slice3A_30 = vector.extract_strided_slice %add3A_14 {offsets = [384, 0], sizes = [128, 2048], strides = [1, 1]} : vector<1024x2048xf32> to vector<128x2048xf32>
    %slice3A_31 = vector.extract_strided_slice %add3A_14 {offsets = [512, 0], sizes = [128, 2048], strides = [1, 1]} : vector<1024x2048xf32> to vector<128x2048xf32>
    %slice3A_32 = vector.extract_strided_slice %add3A_14 {offsets = [640, 0], sizes = [128, 2048], strides = [1, 1]} : vector<1024x2048xf32> to vector<128x2048xf32>
    %slice3A_33 = vector.extract_strided_slice %add3A_14 {offsets = [768, 0], sizes = [128, 2048], strides = [1, 1]} : vector<1024x2048xf32> to vector<128x2048xf32>
    %slice3A_34 = vector.extract_strided_slice %add3A_14 {offsets = [896, 0], sizes = [128, 2048], strides = [1, 1]} : vector<1024x2048xf32> to vector<128x2048xf32>
    %slice3A_35 = vector.extract_strided_slice %add3A_26 {offsets = [0, 0], sizes = [128, 2048], strides = [1, 1]} : vector<1024x2048xf32> to vector<128x2048xf32>
    %slice3A_36 = vector.extract_strided_slice %add3A_26 {offsets = [128, 0], sizes = [128, 2048], strides = [1, 1]} : vector<1024x2048xf32> to vector<128x2048xf32>
    %slice3A_37 = vector.extract_strided_slice %add3A_26 {offsets = [256, 0], sizes = [128, 2048], strides = [1, 1]} : vector<1024x2048xf32> to vector<128x2048xf32>
    %slice3A_38 = vector.extract_strided_slice %add3A_26 {offsets = [384, 0], sizes = [128, 2048], strides = [1, 1]} : vector<1024x2048xf32> to vector<128x2048xf32>
    %slice3A_39 = vector.extract_strided_slice %add3A_26 {offsets = [512, 0], sizes = [128, 2048], strides = [1, 1]} : vector<1024x2048xf32> to vector<128x2048xf32>
    %slice3A_40 = vector.extract_strided_slice %add3A_26 {offsets = [640, 0], sizes = [128, 2048], strides = [1, 1]} : vector<1024x2048xf32> to vector<128x2048xf32>
    %slice3A_41 = vector.extract_strided_slice %add3A_26 {offsets = [768, 0], sizes = [128, 2048], strides = [1, 1]} : vector<1024x2048xf32> to vector<128x2048xf32>
    %slice3A_42 = vector.extract_strided_slice %add3A_26 {offsets = [896, 0], sizes = [128, 2048], strides = [1, 1]} : vector<1024x2048xf32> to vector<128x2048xf32>
    %add3A_43 = arith.addf %slice3A_27, %slice3A_28 : vector<128x2048xf32>
    %add3A_44 = arith.addf %slice3A_29, %slice3A_30 : vector<128x2048xf32>
    %add3A_45 = arith.addf %slice3A_31, %slice3A_32 : vector<128x2048xf32>
    %add3A_46 = arith.addf %slice3A_33, %slice3A_34 : vector<128x2048xf32>
    %add3A_47 = arith.addf %slice3A_35, %slice3A_36 : vector<128x2048xf32>
    %add3A_48 = arith.addf %slice3A_37, %slice3A_38 : vector<128x2048xf32>
    %add3A_49 = arith.addf %slice3A_39, %slice3A_40 : vector<128x2048xf32>
    %add3A_50 = arith.addf %slice3A_41, %slice3A_42 : vector<128x2048xf32>
    %add3A_51 = arith.addf %add3A_43, %add3A_44 : vector<128x2048xf32>
    %add3A_52 = arith.addf %add3A_45, %add3A_46 : vector<128x2048xf32>
    %add3A_53 = arith.addf %add3A_47, %add3A_48 : vector<128x2048xf32>
    %add3A_54 = arith.addf %add3A_49, %add3A_50 : vector<128x2048xf32>
    %add3A_55 = arith.addf %add3A_51, %add3A_52 : vector<128x2048xf32>
    %add3A_56 = arith.addf %add3A_53, %add3A_54 : vector<128x2048xf32>
    %add3A_57 = arith.addf %add3A_55, %add3A_56 : vector<128x2048xf32>
    %transpose3A = tpu.transpose %add3A_57, [1, 0] : vector<128x2048xf32> -> vector<2048x128xf32>
    %get3A_58 = arith.constant 0 : index
    %get3A_59 = arith.constant 0 : index
    %get3A_60 = vector.load %arg3[%get3A_58, %get3A_59] : memref<128x128xf32, #tpu.memory_space<vmem>>, vector<128x128xf32>
    %dot_general3A_61 = arith.constant dense<0.000000e+00> : vector<2048x128xf32>
    %dot_general3A_62 = tpu.matmul %transpose3A, %get3A_60, %dot_general3A_61 {dimension_numbers = #tpu.dot_dimension_numbers<[1], [0], [0], [1], [0, 0, 1, 1], [], []>, transpose_lhs_hint = false} : vector<2048x128xf32>, vector<128x128xf32>, vector<2048x128xf32> -> vector<2048x128xf32>
    %swap3A = arith.constant 0 : index
    %swap3A_63 = arith.constant 0 : index
    %swap3A_64 = vector.load %arg4[%swap3A, %swap3A_63] : memref<2048x128xf32, #tpu.memory_space<vmem>>, vector<2048x128xf32>
    tpu.vector_store %arg4[%swap3A, %swap3A_63], %dot_general3A_62 {strides = array<i32>} : memref<2048x128xf32, #tpu.memory_space<vmem>>, vector<2048x128xf32>,
    return
  }
  func.func @transform_0(%arg0: i32) -> (i32, i32) {
    %c0_i32 = arith.constant 0 : i32
    %c0_i32_0 = arith.constant 0 : i32
    return %c0_i32, %arg0 : i32, i32
  }
  func.func @transform_1(%arg0: i32) -> (i32, i32) {
    %c0_i32 = arith.constant 0 : i32
    %c0_i32_0 = arith.constant 0 : i32
    %c0_i32_1 = arith.constant 0 : i32
    return %c0_i32, %c0_i32_0 : i32, i32
  }
  func.func @transform_2(%arg0: i32) -> (i32, i32) {
    %c0_i32 = arith.constant 0 : i32
    %c0_i32_0 = arith.constant 0 : i32
    %c0_i32_1 = arith.constant 0 : i32
    return %c0_i32, %c0_i32_0 : i32, i32
  }
  func.func @transform_3(%arg0: i32) -> (i32, i32) {
    %c0_i32 = arith.constant 0 : i32
    %c0_i32_0 = arith.constant 0 : i32
    return %arg0, %c0_i32 : i32, i32
  }
}

</mosaic_0001>

<sc_bundles>
// kernel: kernel.5.cloned.1.call-start
scs
__scs_entry_jumppad:
0x0: {  	(pc) =	sbr.rel $0x88, $3  }
0x1: {  	(tag) =	ssettag $0x0;
	lr =	simm.s32 $0x1  }
0x2: {  	[smem:$0x3F9C] =	sst lr;
	_ =	strace $0xD0000000  }
0x3: {  	_ = 	snop  }
0x4: {  	_ = 	snop  }
0x5: {  	_ = 	snop  }
0x6: {  	_ = 	snop  }
0x7: {  	_ = 	snop  }
__scs_overlays_trampoline_lowered:
0x8: {  	[smem:$0x3FAB] =	sst s0  }
0x9: {  	[smem:$0x3FAC] =	sst s1  }
0xa: {  	[smem:$0x3FAD] =	sst s2  }
0xb: {  	[smem:$0x3FAE] =	sst s3  }
0xc: {  	[smem:$0x3FAF] =	sst s4  }
0xd: {  	[smem:$0x3FB0] =	sst s5  }
0xe: {  	[smem:$0x3FB1] =	sst s6  }
0xf: {  	[smem:$0x3FB2] =	sst s7  }
0x10: {  	[smem:$0x3FB3] =	sst s8  }
0x11: {  	[smem:$0x3FB4] =	sst s9;
	s0 =	simm.s32 @!p0 $0x0  }
0x12: {  	s1 =	sld [smem:$0x3F9A];
	s0 =	simm.s32 @p0 $0x1  }
0x13: {  	[smem:$0x3FB5] =	sst s0;
	s0 =	simm.s32 @!p1 $0x0  }
0x14: {  	s2 =	sld [smem:$0x3F99];
	s0 =	simm.s32 @p1 $0x1  }
0x15: {  	[smem:$0x3FB6] =	sst s0;
	s0 =	simm.s32 @!p2 $0x0  }
0x16: {  	s3 =	sld [smem:$0x3FDB];
	s0 =	simm.s32 @p2 $0x1  }
0x17: {  	s4 =	simm.s32 $0x1BF5;
	[smem:$0x3FB8] =	sst s0  }
0x18: {  	s0 =	sld [smem:$0x3F9B];
	_ =	swait.ge [sflag:s4], $0x0  }
0x19: {  	s7 =	sld [smem:$0x3F9C]  }
0x1a: {  	s8 =	sadd.s32 $0xFFFFE003, lr  }
0x1b: {  	s9 =	sadd.s32 $0xFFFFFEF7, lr;
	s5 =	simm.s32 $0xFFFFFFFF;
	p2 =	slt.u32 s8, $0xFFFFF086  }
0x1c: {  	p1 =	slt.u32 s9, $0xF7A;
	s5 =	simm.s32 @!p2 $0x0  }
0x1d: {  	s5 =	simm.s32 @p1 $0x1;
	p0 =	seq.s32 s7, s2  }
0x1e: {  	s7 =	smul.u32 @!p0 $0xF7A, s2;
	p2 =	seq.s32 @!p0 s5, $0x0  }
0x1f: {  	s9 =	smul.u32 $0xF7A, s1;
	s8 =	simm.s32 @!p0 $0x1BF5;
	p2 =	por !p2, p0  }
0x20: {  	[sflag:s8] =	ssyncset.s32 @!p0 $0xFFFFF086;
	s6 =	sadd.s32 @!p0 s3, s7;
	s7 =	simm.s32 @!p0 $0x108  }
0x21: {  	s3 =	sadd.s32 s3, s9;
	s6 =	sadd.s32 @!p0 $0x88, s6;
	s7 =	simm.s32 @p2 $0x1082  }
0x22: {  	[simem:s7], [sflag:s8] =	dma.local @!p0 [hbm:s6], $0xF7A  }
0x23: {  	s9 =	sor.u32 $0xD0000000, s2;
	s6 =	simm.s32 $0x108;
	_ =	swait.ge @!p0 [sflag:s8], $0x0  }
0x24: {  	s3 =	sadd.s32 $0x88, s3;
	s6 =	simm.s32 @!p1 $0x1082;
	[sflag:s4] =	ssyncset.s32 $0xFFFFF086  }
0x25: {  	[simem:s6], [sflag:s4] =	dma.local [hbm:s3], $0xF7A  }
0x26: {  	[smem:$0x3F9C] =	sst s1;
	(tag) =	ssettag s2;
	_ =	strace s9  }
0x27: {  	s1 =	sld [smem:$0x3FAC]  }
0x28: {  	s2 =	sld [smem:$0x3FAD]  }
0x29: {  	s4 =	sld [smem:$0x3FAF]  }
0x2a: {  	p0 =	seq.s32 s5, $0x0;
	s5 =	sld [smem:$0x3FB0]  }
0x2b: {  	s6 =	sld [smem:$0x3FB1]  }
0x2c: {  	s7 =	sld [smem:$0x3FB2]  }
0x2d: {  	s3 =	simm.s32 $0x108;
	s8 =	sld [smem:$0x3FB3]  }
0x2e: {  	s3 =	simm.s32 @!p0 $0x1082;
	s9 =	sld [smem:$0x3FB4]  }
0x2f: {  	lr =	sadd.s32 s0, s3;
	s0 =	sld [smem:$0x3FAB]  }
0x30: {  	s3 =	sld [smem:$0x3FAE]  }
0x31: {  	[smem:$0x3FB7] =	sst s10  }
0x32: {  	s10 =	sld [smem:$0x3FB5];
	_ =	sdelay $0x3  }
0x33: {  	p0 =	seq.s32 s10, $0x1;
	s10 =	sld [smem:$0x3FB7];
	_ =	sdelay $0x3  }
0x34: {  	[smem:$0x3FB7] =	sst s10  }
0x35: {  	s10 =	sld [smem:$0x3FB6];
	_ =	sdelay $0x3  }
0x36: {  	p1 =	seq.s32 s10, $0x1;
	s10 =	sld [smem:$0x3FB7];
	_ =	sdelay $0x3  }
0x37: {  	[smem:$0x3FB7] =	sst s10  }
0x38: {  	s10 =	sld [smem:$0x3FB8]  }
0x39: {  	_ = 	snop;
	(pc) =	sbr.ind lr, $3  }
0x3a: {  	_ = 	snop  }
0x3b: {  	_ = 	snop  }
0x3c: {  	p2 =	seq.s32 s10, $0x1;
	s10 =	sld [smem:$0x3FB7]  }
0x3d: {  	_ =	shalt  }
0x3e: {  	_ =	shalt  }
0x3f: {  	_ =	shalt  }
0x40: {  	_ =	shalt  }
0x41: {  	_ =	shalt  }
0x42: {  	_ =	shalt  }
0x43: {  	_ =	shalt  }
0x44: {  	_ =	shalt  }
0x45: {  	_ =	shalt  }
0x46: {  	_ =	shalt  }
0x47: {  	_ =	shalt  }
0x48: {  	_ =	shalt  }
0x49: {  	_ =	shalt  }
0x4a: {  	_ =	shalt  }
0x4b: {  	_ =	shalt  }
0x4c: {  	_ =	shalt  }
0x4d: {  	_ =	shalt  }
0x4e: {  	_ =	shalt  }
0x4f: {  	_ =	shalt  }
0x50: {  	_ =	shalt  }
0x51: {  	_ =	shalt  }
0x52: {  	_ =	shalt  }
0x53: {  	_ =	shalt  }
0x54: {  	_ =	shalt  }
0x55: {  	_ =	shalt  }
0x56: {  	_ =	shalt  }
0x57: {  	_ =	shalt  }
0x58: {  	_ =	shalt  }
0x59: {  	_ =	shalt  }
0x5a: {  	_ =	shalt  }
0x5b: {  	_ =	shalt  }
0x5c: {  	_ =	shalt  }
0x5d: {  	_ =	shalt  }
0x5e: {  	_ =	shalt  }
0x5f: {  	_ =	shalt  }
0x60: {  	_ =	shalt  }
0x61: {  	_ =	shalt  }
0x62: {  	_ =	shalt  }
0x63: {  	_ =	shalt  }
0x64: {  	_ =	shalt  }
0x65: {  	_ =	shalt  }
0x66: {  	_ =	shalt  }
0x67: {  	_ =	shalt  }
0x68: {  	_ =	shalt  }
0x69: {  	_ =	shalt  }
0x6a: {  	_ =	shalt  }
0x6b: {  	_ =	shalt  }
0x6c: {  	_ =	shalt  }
0x6d: {  	_ =	shalt  }
0x6e: {  	_ =	shalt  }
0x6f: {  	_ =	shalt  }
0x70: {  	_ =	shalt  }
0x71: {  	_ =	shalt  }
0x72: {  	_ =	shalt  }
0x73: {  	_ =	shalt  }
0x74: {  	_ =	shalt  }
0x75: {  	_ =	shalt  }
0x76: {  	_ =	shalt  }
0x77: {  	_ =	shalt  }
0x78: {  	_ =	shalt  }
0x79: {  	_ =	shalt  }
0x7a: {  	_ =	shalt  }
0x7b: {  	_ =	shalt  }
0x7c: {  	_ =	shalt  }
0x7d: {  	_ =	shalt  }
0x7e: {  	_ =	shalt  }
0x7f: {  	_ =	shalt  }
0x80: {  	_ =	shalt  }
0x81: {  	_ =	shalt  }
0x82: {  	_ =	shalt  }
0x83: {  	_ =	shalt  }
0x84: {  	_ =	shalt  }
0x85: {  	_ =	shalt  }
0x86: {  	_ =	shalt  }
0x87: {  	_ =	shalt  }
.Lfunc_end0:
.L_simem_size_0:
called_computation_lowered:
.L_overlay_start_0:
0x88: {  	s2 =	sld [smem:$0x3FD9]  }
0x89: {  	s3 =	sld [smem:$0x3FFE];
	_ =	sdelay $0x1  }
0x8a: {  	s1 =	srdreg.scid  }
0x8b: {  	s0 =	sand.u32 $0x1, s1  }
0x8c: {  	s17 =	sshll.u32 s0, $0xA;
	s2 =	sadd.s32 s3, s2  }
0x8d: {  	s2 =	sadd.s32 s2, s17  }
0x8e: {  	[smem:$0x3FC3] =	sst s2  }
0x8f: {  	_ = 	snop  }
0x90: {  	s2 =	sld [smem:$0x3FD0];
	(tm) =	ssettm $0x1  }
0x91: {  	s18 =	sld [smem:$0x3FFB];
	_ =	sdelay $0x3  }
0x92: {  	_ =	strace s18  }
0x93: {  	s3 =	sld [smem:$0x3FFC];
	_ =	sdelay $0x3  }
0x94: {  	_ =	strace s3  }
0x95: {  	s3 =	sld [smem:$0x3FFD];
	_ =	sdelay $0x3  }
0x96: {  	_ =	strace s3  }
0x97: {  	_ =	strace $0x8FFFFFFF  }
0x98: {  	s19 =	sld [smem:$0x3FDB];
	_ =	sdelay $0x1  }
0x99: {  	s4 =	simm.s32 $_scs_section_size  }
0x9a: {  	s5 =	simm.s32 $_size__tile_overlayer_lowered;
	s6 =	simm.s32 $_tile_overlayer_lowered  }
0x9b: {  	s22 =	simm.s32 $0x1BFF;
	s21 =	sshll.u32 s6, $0x1;
	s3 =	sadd.s32 s4, s19  }
0x9c: {  	s7 =	simm.s32 $0x0;
	s20 =	sshll.u32 s5, $0x1;
	s5 =	sadd.s32 s21, s3  }
0x9d: {  	[timem:s7], [sflag:s22] =	dma.local [hbm:s5], s20  }
0x9e: {  	_ =	swait.ge [sflag:s22], s20  }
0x9f: {  	s4 =	ssub.s32 $0x0, s20;
	[sflag:s22] =	ssyncset.done $0x0  }
0xa0: {  	[sflag:s22] =	ssyncadd.s32 s4;
	_ =	sdelay $0x1  }
0xa1: {  	s23 =	simm.s32 $0x1B8B  }
0xa2: {  	_ =	swait.ge [sflag:s23], $0x1  }
0xa3: {  	[sflag:s23] =	ssyncset.done $0x0  }
0xa4: {  	s25 =	simm.s32 $0x1B8E;
	s24 =	sld [smem:$0x3FFE];
	[sflag:s23] =	ssyncadd.s32 $0xFFFFFFFF  }
0xa5: {  	s26 =	simm.s32 $execute0_lowered;
	[smem:$0x3FD2] =	sst s25  }
0xa6: {  	s5 =	sshll.u32 s26, $0x1;
	_ =	strace $0x80000046;
	[dreg:$0x1] =	wrdreg $0xFFFFFFFF  }
0xa7: {  	s28 =	simm.s32 $_size_execute0_lowered;
	s3 =	sadd.s32 s3, s5;
	[dreg:$0x0] =	wrdreg $0x0  }
0xa8: {  	s5 =	sshll.u32 s28, $0x1;
	[dreg:$0x2] =	wrdreg s3  }
0xa9: {  	[dreg:$0x3] =	wrdreg s5  }
0xaa: {  	[dreg:$0x4] =	wrdreg $0xC0  }
0xab: {  	_ =	task [dreg:s7], $0x5FFFF  }
0xac: {  	[dreg:$0x1] =	wrdreg $0xFFFFFFFF  }
0xad: {  	[dreg:$0x0] =	wrdreg $0x60  }
0xae: {  	[dreg:$0x2] =	wrdreg s24  }
0xaf: {  	[dreg:$0x3] =	wrdreg s2  }
0xb0: {  	[dreg:$0x4] =	wrdreg $0x9  }
0xb1: {  	_ =	task.clear_ibuf [dreg:s7], $0x5FFFF;
	_ =	strace $0x90000046  }
0xb2: {  	s29 =	simm.s32 $0x9;
	_ =	strace $0x80000048  }
0xb3: {  	_ =	swait.ge [sflag:s29], $0x1  }
0xb4: {  	[sflag:s29] =	ssyncadd.s32 $0xFFFFFFFF  }
0xb5: {  	_ =	strace $0x90000048  }
0xb6: {  	_ =	sfence  }
0xb7: {  	s30 =	sld [smem:$0x0];
	_ =	sdelay $0x2  }
0xb8: {  	s31 =	sshll.u32 s1, $0xD;
	s1 =	sshrl.u32 s1, $0x2  }
0xb9: {  	s3 =	sand.u32 $0x4000, s31;
	s1 =	sadd.s32 s1, s30  }
0xba: {  	s0 =	sor.u32 s3, s0;
	s1 =	sshll.u32 s1, $0x11  }
0xbb: {  	s0 =	sor.u32 s1, s0  }
0xbc: {  	s0 =	sadd.s32 $0x8F2B, s0  }
0xbd: {  	[sflag:s0] =	ssyncadd.remote.s32 $0x1  }
0xbe: {  	_ =	sfence.sel $0xFFFF  }
0xbf: {  	[dreg:$0x0] =	wrdreg $0xFFFFFFFF;
	(pc) =	sbr.abs _section_cstart, $3  }
0xc0: {  	[dreg:$0x1] =	wrdreg $0xFFFFFFFF  }
0xc1: {  	_ =	task.clear_ibuf [dreg:s7], $0x2FFFF;
	_ =	strace $0x9FFFFFFF  }
0xc2: {  	(tm) =	ssettm $0x7FFFFFFF  }
0xc3: {  	_ =	shalt  }
tec
execute0_lowered:
.L_overlay_start_1:
0x0: {  	(tag) =	ssettag $0x1  }
0x1: {  	s0 =	rddreg [dreg:$0x0]  }
0x2: {  	s1 =	rddreg [dreg:$0x1];
	s3 =	srdreg.scid  }
0x3: {  	s9 =	stileid.u32;
	s2 =	simm.s32 $0x0;
	s15 =	simm.s32 $0xB  }
0x4: {  	s16 =	simm.s32 $0x80;
	s17 =	simm.s32 $0x1000;
	s19 =	simm.s32 $0x9000  }
0x5: {  	s28 =	simm.s32 $0x8;
	s29 =	simm.s32 $0x9;
	s30 =	simm.s32 $0xA  }
0x6: {  	s31 =	simm.s32 $0x0;
	s11 =	sand.u32 $0x1, s3;
	s21 =	sshll.u32 s9, $0x1  }
0x7: {  	[smem:$0x7FF] =	sst s2;
	s3 =	sadd.s32 $0x800, s0;
	s0 =	sadd.s32 $0x1000, s0  }
0x8: {  	s13 =	smul.u32 $0x19000, s9;
	s8 =	sor.u32 s11, s21;
	s5 =	ssub.s32 $0x2, s11  }
0x9: {  	_ =	strace $0x80000047;
	s6 =	sshrl.u32 s5, $0x1;
	s7 =	sand.u32 $0x7, s8  }
0xa: {  	s14 =	smul.u32 $0xC800, s11;
	s10 =	ssub.s32 s5, s6;
	s5 =	sshll.u32 s7, $0x7  }
0xb: {  	s21 =	simm.s32 $0x11000;
	s4 =	smul.u32 $0x190, s8;
	s22 =	sadd.s32 $0x80, s5  }
0xc: {  	s24 =	smul.u32 $0xC800, s8;
	s23 =	sadd.s32 $0x100, s5;
	[dreg:$0x4] =	wrdreg s22  }
0xd: {  	s4 =	sand.u32 $0x3F80, s4;
	s25 =	sadd.s32 $0x180, s5;
	[dreg:$0x5] =	wrdreg s23  }
0xe: {  	s26 =	sadd.s32 $0x200, s5;
	s10 =	smax.u32 s10, $0x1;
	[dreg:$0x6] =	wrdreg s25  }
.Ltmp0:
0xf: {  	s1 =	sadd.s32 s1, s4;
	[dreg:$0x7] =	wrdreg s26;
	(pc) =	sbr.rel .LBB2_1-.Ltmp0, $4  }
0x10: {  	s22 =	simm.s32 $0x1;
	s23 =	simm.s32 $0x3;
	s25 =	simm.s32 $0x6  }
0x11: {  	s26 =	simm.s32 $0x7;
	[dreg:$0x3] =	wrdreg s1;
	s1 =	sadd.s32 s0, s24  }
0x12: {  	s0 =	sadd.s32 s13, s0;
	s24 =	simm.s32 $0x5;
	s11 =	sadd.s32 $0xA800, s1  }
0x13: {  	s12 =	sadd.s32 $0xB800, s1;
	s13 =	sadd.s32 s14, s0;
	s0 =	sadd.s32 $0x480, s5  }
.LBB2_4:
0x14: {  	_ =	swait.ge [sflag:s25], $0x4000  }
0x15: {  	[sflag:s25] =	ssyncset.done $0x0  }
0x16: {  	[sflag:s25] =	ssyncadd.s32 $0xFFFFC000  }
0x17: {  	_ =	swait.ge [sflag:s26], $0x4000  }
0x18: {  	[sflag:s26] =	ssyncset.done $0x0  }
0x19: {  	[sflag:s26] =	ssyncadd.s32 $0xFFFFC000  }
0x1a: {  	_ =	swait.ge [sflag:s28], $0x4000  }
0x1b: {  	[sflag:s28] =	ssyncset.done $0x0  }
0x1c: {  	s31 =	sadd.s32 $0x1, s31;
	[sflag:s28] =	ssyncadd.s32 $0xFFFFC000  }
0x1d: {  	p0 =	sne.s32 s31, s10;
	_ =	swait.ge [sflag:s29], $0x4000  }
.Ltmp1:
0x1e: {  	[sflag:s29] =	ssyncset.done $0x0;
	(pc) =	sbr.rel @!p0 .LBB2_5-.Ltmp1, $4  }
0x1f: {  	[sflag:s29] =	ssyncadd.s32 $0xFFFFC000  }
0x20: {  	_ =	swait.ge [sflag:s30], $0x4000  }
0x21: {  	[sflag:s30] =	ssyncset.done $0x0  }
0x22: {  	[sflag:s30] =	ssyncadd.s32 $0xFFFFC000  }
.LBB2_1:
0x23: {  	s1 =	rddreg [dreg:$0x3]  }
0x24: {  	[tilespmem:s2], [sflag:$0xB] =	stream.linear.gather [hbm4b:s1+s2], $0x1000, $0x38;
	[tilespmem:$0x15000] =	vst v63  }
0x25: {  	_ =	swait.ge [sflag:s15], $0x1000  }
0x26: {  	[sflag:s15] =	ssyncset.done $0x0  }
0x27: {  	[sflag:s15] =	ssyncadd.s32 $0xFFFFF000  }
0x28: {  	[tilespmem:s17], [sflag:$0x1] =	stream.indirect.gather [hbm4b:s3+s16], $0x80, s5, s16, $0xb8;
	[tilespmem:$0x15000] =	vst v63  }
0x29: {  	s4 =	simm.s32 $0x5000;
	s8 =	rddreg [dreg:$0x4]  }
0x2a: {  	[tilespmem:s4], [sflag:$0x2] =	stream.indirect.gather [hbm4b:s3+s16], $0x80, s8, s16, $0xb8;
	[tilespmem:$0x15000] =	vst v63  }
0x2b: {  	s9 =	rddreg [dreg:$0x5]  }
0x2c: {  	[tilespmem:s19], [sflag:$0x3] =	stream.indirect.gather [hbm4b:s3+s16], $0x80, s9, s16, $0xb8;
	[tilespmem:$0x15000] =	vst v63  }
0x2d: {  	s18 =	simm.s32 $0xD000;
	s14 =	rddreg [dreg:$0x6]  }
0x2e: {  	[tilespmem:s18], [sflag:$0x4] =	stream.indirect.gather [hbm4b:s3+s16], $0x80, s14, s16, $0xb8;
	[tilespmem:$0x15000] =	vst v63  }
0x2f: {  	s1 =	simm.s32 $0x0;
	s20 =	rddreg [dreg:$0x7];
	s14 =	smov.u32 s0  }
0x30: {  	[tilespmem:s21], [sflag:$0x5] =	stream.indirect.gather [hbm4b:s3+s16], $0x80, s20, s16, $0xb8;
	[tilespmem:$0x15000] =	vst v63  }
.LBB2_2:
0x31: {  	_ =	swait.ge [sflag:s22], $0x4000  }
0x32: {  	p0 =	seq.s32 s1, $0xA000;
	[sflag:s22] =	ssyncset.done $0x0  }
0x33: {  	s18 =	sadd.s32 s1, s13;
	s20 =	simm.s32 @p0 $0x2;
	[sflag:s22] =	ssyncadd.s32 $0xFFFFC000  }
0x34: {  	[hbm4b:s18+s2] =	stream.linear.scatter [tilespmem:s17], [sflag:$0x6], $0x4000, $0x38;
	[tilespmem:$0x15000] =	vst v63  }
0x35: {  	_ =	swait.ge @p0 [sflag:s20], $0x4000  }
0x36: {  	[sflag:s20] =	ssyncset.done @p0 $0x0  }
0x37: {  	s4 =	simm.s32 @p0 $0x5000;
	[sflag:s20] =	ssyncadd.s32 @p0 $0xFFFFC000;
	s20 =	simm.s32 @p0 $0x0  }
0x38: {  	[hbm4b:s11+s20] =	stream.linear.scatter @p0 [tilespmem:s4], [sflag:$0x7], $0x4000, $0x38;
	[tilespmem:$0x15000] =	vst v63  }
0x39: {  	s4 =	simm.s32 @!p0 $0x6  }
0x3a: {  	_ =	swait.ge @!p0 [sflag:s4], $0x4000  }
0x3b: {  	s6 =	simm.s32 @!p0 $0x80;
	[sflag:s4] =	ssyncset.done @!p0 $0x0  }
0x3c: {  	s7 =	simm.s32 @!p0 $0x1000;
	[sflag:s4] =	ssyncadd.s32 @!p0 $0xFFFFC000;
	s4 =	sadd.s32 @!p0 $0xFFFFFE00, s14  }
0x3d: {  	[tilespmem:s7], [sflag:$0x1] =	stream.indirect.gather @!p0 [hbm4b:s3+s6], $0x80, s4, s6, $0xb8;
	[tilespmem:$0x15000] =	vst v63  }
0x3e: {  	s4 =	simm.s32 @!p0 $0x2  }
0x3f: {  	_ =	swait.ge @!p0 [sflag:s4], $0x4000  }
0x40: {  	[sflag:s4] =	ssyncset.done @!p0 $0x0  }
0x41: {  	[sflag:s4] =	ssyncadd.s32 @!p0 $0xFFFFC000;
	s4 =	sadd.s32 @!p0 s1, s13  }
0x42: {  	s8 =	simm.s32 @!p0 $0x0;
	s9 =	simm.s32 @!p0 $0x5000;
	s7 =	sadd.s32 @!p0 $0x800, s4  }
0x43: {  	[hbm4b:s7+s8] =	stream.linear.scatter @!p0 [tilespmem:s9], [sflag:$0x7], $0x4000, $0x38;
	[tilespmem:$0x15000] =	vst v63  }
0x44: {  	s7 =	simm.s32 @!p0 $0x7  }
0x45: {  	_ =	swait.ge @!p0 [sflag:s7], $0x4000  }
0x46: {  	[sflag:s7] =	ssyncset.done @!p0 $0x0  }
0x47: {  	[sflag:s7] =	ssyncadd.s32 @!p0 $0xFFFFC000;
	s7 =	sadd.s32 @!p0 $0xFFFFFE80, s14  }
0x48: {  	[tilespmem:s9], [sflag:$0x2] =	stream.indirect.gather @!p0 [hbm4b:s3+s6], $0x80, s7, s6, $0xb8;
	[tilespmem:$0x15000] =	vst v63  }
0x49: {  	_ =	swait.ge [sflag:s23], $0x4000  }
0x4a: {  	[sflag:s23] =	ssyncset.done $0x0  }
0x4b: {  	s9 =	sadd.s32 $0x1000, s18;
	s7 =	simm.s32 @p0 $0x4;
	[sflag:s23] =	ssyncadd.s32 $0xFFFFC000  }
0x4c: {  	[hbm4b:s9+s2] =	stream.linear.scatter [tilespmem:s19], [sflag:$0x8], $0x4000, $0x38;
	[tilespmem:$0x15000] =	vst v63  }
0x4d: {  	_ =	swait.ge @p0 [sflag:s7], $0x4000  }
0x4e: {  	[sflag:s7] =	ssyncset.done @p0 $0x0  }
0x4f: {  	[sflag:s7] =	ssyncadd.s32 @p0 $0xFFFFC000;
	s7 =	simm.s32 @p0 $0xD000  }
0x50: {  	[hbm4b:s12+s20] =	stream.linear.scatter @p0 [tilespmem:s7], [sflag:$0x9], $0x4000, $0x38;
	[tilespmem:$0x15000] =	vst v63  }
0x51: {  	s7 =	simm.s32 @!p0 $0x8  }
0x52: {  	_ =	swait.ge @!p0 [sflag:s7], $0x4000  }
0x53: {  	[sflag:s7] =	ssyncset.done @!p0 $0x0  }
0x54: {  	s9 =	simm.s32 @!p0 $0x9000;
	[sflag:s7] =	ssyncadd.s32 @!p0 $0xFFFFC000;
	s7 =	sadd.s32 @!p0 $0xFFFFFF00, s14  }
0x55: {  	[tilespmem:s9], [sflag:$0x3] =	stream.indirect.gather @!p0 [hbm4b:s3+s6], $0x80, s7, s6, $0xb8;
	[tilespmem:$0x15000] =	vst v63  }
0x56: {  	s7 =	simm.s32 @!p0 $0x4  }
0x57: {  	_ =	swait.ge @!p0 [sflag:s7], $0x4000  }
0x58: {  	[sflag:s7] =	ssyncset.done @!p0 $0x0  }
0x59: {  	s4 =	sadd.s32 @!p0 $0x1800, s4;
	[sflag:s7] =	ssyncadd.s32 @!p0 $0xFFFFC000;
	s7 =	simm.s32 @!p0 $0xD000  }
0x5a: {  	[hbm4b:s4+s8] =	stream.linear.scatter @!p0 [tilespmem:s7], [sflag:$0x9], $0x4000, $0x38;
	[tilespmem:$0x15000] =	vst v63  }
0x5b: {  	s4 =	simm.s32 @!p0 $0x9  }
0x5c: {  	_ =	swait.ge @!p0 [sflag:s4], $0x4000  }
0x5d: {  	[sflag:s4] =	ssyncset.done @!p0 $0x0  }
0x5e: {  	[sflag:s4] =	ssyncadd.s32 @!p0 $0xFFFFC000;
	s4 =	sadd.s32 @!p0 $0xFFFFFF80, s14  }
0x5f: {  	[tilespmem:s7], [sflag:$0x4] =	stream.indirect.gather @!p0 [hbm4b:s3+s6], $0x80, s4, s6, $0xb8;
	[tilespmem:$0x15000] =	vst v63  }
.Ltmp2:
0x60: {  	_ = 	snop;
	(pc) =	sbr.rel @p0 .LBB2_4-.Ltmp2, $4  }
0x61: {  	_ =	swait.ge [sflag:s24], $0x4000  }
0x62: {  	[sflag:s24] =	ssyncset.done $0x0  }
0x63: {  	s20 =	sadd.s32 $0x2000, s18;
	[sflag:s24] =	ssyncadd.s32 $0xFFFFC000  }
0x64: {  	[hbm4b:s20+s2] =	stream.linear.scatter [tilespmem:s21], [sflag:$0xA], $0x4000, $0x38;
	[tilespmem:$0x15000] =	vst v63  }
.Ltmp3:
0x65: {  	_ =	swait.ge [sflag:s30], $0x4000;
	(pc) =	sbr.rel .LBB2_2-.Ltmp3, $4  }
0x66: {  	[sflag:s30] =	ssyncset.done $0x0  }
0x67: {  	[sflag:s30] =	ssyncadd.s32 $0xFFFFC000  }
0x68: {  	[tilespmem:s21], [sflag:$0x5] =	stream.indirect.gather [hbm4b:s3+s16], $0x80, s14, s16, $0xb8;
	[tilespmem:$0x15000] =	vst v63  }
0x69: {  	s1 =	sadd.s32 $0x2800, s1;
	s14 =	sadd.s32 $0x280, s14  }
.LBB2_5:
0x6a: {  	_ =	sfence.sel $0x180000  }
0x6b: {  	[bflag:$0x0] =	sbarrier.arrive $0xFFFF  }
0x6c: {  	_ =	strace $0x90000047  }
0x6d: {  	s0 =	stileid.u32;
	[bflag:$0x2] =	sbarrier.arrive $0xFFFF  }
0x6e: {  	p0 =	sne.s32 s0, $0x0;
	s0 =	rddreg [dreg:$0x2]  }
0x6f: {  	s0 =	sadd.s32 @!p0 $0x100000, s0  }
0x70: {  	[sflag:s0] =	ssyncadd.tile.s32 @!p0 $0x1;
	_ =	shalt  }
.Lfunc_end2:
_tile_overlayer_lowered:
.L_overlay_start_2:
0x71: {  	(tag) =	ssettag $0x2  }
0x72: {  	s0 =	rddreg [dreg:$0x0];
	s2 =	stileid.u32  }
0x73: {  	s1 =	rddreg [dreg:$0x1];
	p0 =	sne.s32 s2, $0x0  }
0x74: {  	s3 =	rddreg [dreg:$0x2];
	[bflag:$0x3] =	sbarrier.arrive $0xFFFF;
	s2 =	simm.s32 @!p0 $0x1C0B  }
0x75: {  	[timem:s3], [sflag:s2] =	dma.local @!p0 [hbm:s0], s1  }
0x76: {  	s0 =	simm.s32 @!p0 $0xB  }
0x77: {  	_ =	swait.ge @!p0 [sflag:s0], s1  }
0x78: {  	s1 =	ssub.s32 @!p0 $0x0, s1;
	[sflag:s0] =	ssyncset.done @!p0 $0x0  }
0x79: {  	[sflag:s0] =	ssyncadd.s32 @!p0 s1  }
0x7a: {  	[bflag:$0x3] =	sbarrier.arrive $0xFFFF  }
0x7b: {  	_ =	shalt  }

</sc_bundles>
